<compile_context>
chip_gen: v7x
topology: tpu7x:2x2x1
jax: 0.10.2.dev20260603
libtpu: 0.0.44.dev20260713+nightly
codegen_flags: <defaults>
</compile_context>

<pallas_src>
import functools
import jax
import jax.numpy as jnp
from jax import lax
from jax.experimental import pallas as pl
from jax.experimental.pallas import tpu as pltpu
from jax.experimental.pallas import tpu_sc as plsc

_N, _S, _D = 4, 4096, 1024
_NC, _NS = 2, 16
_NW = _NC * _NS
_SPW = _S // _NW
_C = 16
_NCHUNK = _SPW // _C
_L = 16
_CW = _C * _D
_NVEC = _CW // _L

_mesh = plsc.VectorSubcoreMesh(
    core_axis_name="c", subcore_axis_name="s", num_cores=_NC, num_subcores=_NS
)


def _accum(b_v, e_v):
    @plsc.parallel_loop(0, _NVEC, unroll=8)
    def _(i):
        off = i * _L
        vec = e_v[pl.ds(off, _L)]
        plsc.addupdate(b_v.at[pl.ds(off, _L)], vec)


@functools.partial(
    pl.kernel,
    out_type=jax.ShapeDtypeStruct((_N * _S * _D,), jnp.float32),
    mesh=_mesh,
    scratch_types=[
        pltpu.VMEM((_CW,), jnp.float32),
        pltpu.VMEM((_CW,), jnp.float32),
        pltpu.VMEM((_CW,), jnp.float32),
        pltpu.VMEM((_CW,), jnp.float32),
        pltpu.SemaphoreType.DMA,
        pltpu.SemaphoreType.DMA,
        pltpu.SemaphoreType.DMA,
        pltpu.SemaphoreType.DMA,
        pltpu.SemaphoreType.DMA,
        pltpu.SemaphoreType.DMA,
    ],
)
def _sc_add(x_hbm, enc_hbm, out_hbm, e0, e1, b0, b1, er0, er1, xr0, xr1,
            wr0, wr1):
    wid = lax.axis_index("s") * _NC + lax.axis_index("c")
    s_base = wid * _SPW
    x_bufs, x_sems = (b0, b1), (xr0, xr1)
    e_bufs = (e0, e1)
    w_sems = (wr0, wr1)

    def enc_src(ci):
        return enc_hbm.at[pl.ds((s_base + ci * _C) * _D, _CW)]

    def x_src(ci, n):
        return x_hbm.at[pl.ds((n * _S + s_base + ci * _C) * _D, _CW)]

    def out_dst(ci, n):
        return out_hbm.at[pl.ds((n * _S + s_base + ci * _C) * _D, _CW)]

    pltpu.async_copy(enc_src(0), e0, er0)
    pltpu.async_copy(x_src(0, 0), b0, xr0)

    def pair_body(p, carry):
        for j in range(8):
            eb = j // 4
            xb = j % 2
            ci = 2 * p + j // 4
            n = j % 4

            if j == 0:
                pltpu.make_async_copy(enc_src(2 * p), e0, er0).wait()
                pltpu.async_copy(enc_src(2 * p + 1), e1, er1)
            if j == 4:
                pltpu.make_async_copy(enc_src(2 * p + 1), e1, er1).wait()

                @pl.when(p < _NCHUNK // 2 - 1)
                def _():
                    pltpu.async_copy(enc_src(2 * p + 2), e0, er0)

            if j < 7:
                nxt = j + 1
                ci_n, n_n = 2 * p + nxt // 4, nxt % 4
                if j == 0:
                    @pl.when(p > 0)
                    def _():
                        pltpu.make_async_copy(
                            x_bufs[1], out_dst(ci, n), w_sems[1]
                        ).wait()
                else:
                    pltpu.make_async_copy(
                        x_bufs[nxt % 2], out_dst(ci, n), w_sems[nxt % 2]
                    ).wait()
                pltpu.async_copy(
                    x_src(ci_n, n_n), x_bufs[nxt % 2], x_sems[nxt % 2]
                )
            else:
                @pl.when(p < _NCHUNK // 2 - 1)
                def _():
                    pltpu.make_async_copy(
                        x_bufs[0], out_dst(ci, n), w_sems[0]
                    ).wait()
                    pltpu.async_copy(
                        x_src(2 * p + 2, 0), x_bufs[0], x_sems[0]
                    )

            pltpu.make_async_copy(x_src(ci, n), x_bufs[xb], x_sems[xb]).wait()
            _accum(x_bufs[xb], e_bufs[eb])
            pltpu.async_copy(x_bufs[xb], out_dst(ci, n), w_sems[xb])
        return carry

    lax.fori_loop(0, _NCHUNK // 2, pair_body, 0)

    last = _NCHUNK - 1
    pltpu.make_async_copy(b0, out_dst(last, 2), wr0).wait()
    pltpu.make_async_copy(b1, out_dst(last, 3), wr1).wait()


def kernel(x, encoding):
    out = _sc_add(x.reshape(-1), encoding.reshape(-1))
    return out.reshape(x.shape)

# --- scband reference (transcript-rebuilt; emitter-appended) ---
"""Pipeline reference for scband-positional-encoding-5497558139456 (READ-ONLY COPY).

The authoritative reference and input builder live on the scoring server;
editing this copy changes nothing except your own understanding.
"""

import jax, jax.numpy as jnp
import numpy as np

MAX_LEN = 5000
EMBED_DIM = 1024

def setup_inputs(seed: int = 0) -> dict:
    key = jax.random.key(seed)
    k1, k2 = jax.random.split(key)
    x = jax.random.normal(k1, (4, 4096, 1024), dtype=jnp.float32)
    # nn.Embedding default init: N(0, 1)
    encoding = jax.random.normal(k2, (MAX_LEN, EMBED_DIM), dtype=jnp.float32)
    return {"x": x, "encoding": encoding}

def reference(x, encoding):
    N, S, D = x.shape
    pos = jnp.arange(S, dtype=jnp.int32)
    pos_emb = jnp.take(encoding, pos, axis=0)  # [S, D]
    out = x + pos_emb[None, :, :]  # broadcast over batch (expand)
    # dropout p=0.0 -> identity
    return out

if __name__ == "__main__":
    import jax
    _d = setup_inputs()
    print(jax.jit(kernel)(*tuple(_d.values())))

</pallas_src>

<mosaic_0001>
#map = affine_map<(d0, d1) -> (0)>
module attributes {stable_mosaic.version = 14 : i64} {
  func.func @_sc_add(%arg0: i32, %arg1: i32, %arg2: memref<16777216xf32, #tpu.memory_space<hbm>>, %arg3: memref<5120000xf32, #tpu.memory_space<hbm>>, %arg4: memref<16777216xf32, #tpu.memory_space<hbm>>, %arg5: memref<16384xf32, #tpu.memory_space<vmem>>, %arg6: memref<16384xf32, #tpu.memory_space<vmem>>, %arg7: memref<16384xf32, #tpu.memory_space<vmem>>, %arg8: memref<16384xf32, #tpu.memory_space<vmem>>, %arg9: memref<!tpu.dma_semaphore, #tpu.memory_space<semaphore_mem>>, %arg10: memref<!tpu.dma_semaphore, #tpu.memory_space<semaphore_mem>>, %arg11: memref<!tpu.dma_semaphore, #tpu.memory_space<semaphore_mem>>, %arg12: memref<!tpu.dma_semaphore, #tpu.memory_space<semaphore_mem>>, %arg13: memref<!tpu.dma_semaphore, #tpu.memory_space<semaphore_mem>>, %arg14: memref<!tpu.dma_semaphore, #tpu.memory_space<semaphore_mem>>) attributes {dimension_semantics = [#tpu.dimension_semantics<core_parallel>, #tpu.dimension_semantics<subcore_parallel>], iteration_bounds = array<i64: 2, 16>, scalar_prefetch = 0 : i64, scratch_operands = 10 : i64, tpu.core_type = #tpu.core_type<sc_vector_subcore>, window_params = [{transform_indices = #map}, {transform_indices = #map}, {transform_indices = #map}]} {
    %mul3A = arith.constant 2 : i32
    %mul3A_0 = arith.muli %arg1, %mul3A : i32
    %add3A = arith.addi %mul3A_0, %arg0 : i32
    %mul3A_1 = arith.constant 128 : i32
    %mul3A_2 = arith.muli %add3A, %mul3A_1 : i32
    %add3A_3 = arith.constant 0 : i32
    %add3A_4 = arith.addi %mul3A_2, %add3A_3 : i32
    %mul3A_5 = arith.constant 1024 : i32
    %mul3A_6 = arith.muli %add3A_4, %mul3A_5 : i32
    %dma_start3A = tpu.memref_slice %arg3[%mul3A_6] : memref<5120000xf32, #tpu.memory_space<hbm>> -> memref<16384xf32, #tpu.memory_space<hbm>>
    %dma_start3A_7 = tpu.memref_slice %arg3[%mul3A_6] : memref<5120000xf32, #tpu.memory_space<hbm>> -> memref<16384xf32, #tpu.memory_space<hbm>>
    tpu.enqueue_dma source(%dma_start3A_7 : memref<16384xf32, #tpu.memory_space<hbm>>) target(%arg5 : memref<16384xf32, #tpu.memory_space<vmem>>) target_semaphore(%arg9 : memref<!tpu.dma_semaphore, #tpu.memory_space<semaphore_mem>>)
    %add3A_8 = arith.constant 0 : i32
    %add3A_9 = arith.addi %add3A_8, %mul3A_2 : i32
    %add3A_10 = arith.constant 0 : i32
    %add3A_11 = arith.addi %add3A_9, %add3A_10 : i32
    %mul3A_12 = arith.constant 1024 : i32
    %mul3A_13 = arith.muli %add3A_11, %mul3A_12 : i32
    %dma_start3A_14 = tpu.memref_slice %arg2[%mul3A_13] : memref<16777216xf32, #tpu.memory_space<hbm>> -> memref<16384xf32, #tpu.memory_space<hbm>>
    %dma_start3A_15 = tpu.memref_slice %arg2[%mul3A_13] : memref<16777216xf32, #tpu.memory_space<hbm>> -> memref<16384xf32, #tpu.memory_space<hbm>>
    tpu.enqueue_dma source(%dma_start3A_15 : memref<16384xf32, #tpu.memory_space<hbm>>) target(%arg7 : memref<16384xf32, #tpu.memory_space<vmem>>) target_semaphore(%arg11 : memref<!tpu.dma_semaphore, #tpu.memory_space<semaphore_mem>>)
    %scan3A = arith.constant 0 : i32
    %scan3A_16 = arith.constant 0 : i32
    %scan3A_17 = arith.constant 4 : i32
    %scan3A_18 = arith.addi %scan3A_16, %scan3A_17 : i32
    %scan3A_19 = arith.constant 1 : i32
    scf.for %scan3A_36 = %scan3A_16 to %scan3A_18 step %scan3A_19  : i32 {
      %mul3A_37 = arith.constant 2 : i32
      %mul3A_38 = arith.muli %mul3A_37, %scan3A_36 : i32
      %add3A_39 = arith.constant 0 : i32
      %add3A_40 = arith.addi %mul3A_38, %add3A_39 : i32
      %mul3A_41 = arith.constant 2 : i32
      %mul3A_42 = arith.muli %mul3A_41, %scan3A_36 : i32
      %mul3A_43 = arith.constant 16 : i32
      %mul3A_44 = arith.muli %mul3A_42, %mul3A_43 : i32
      %add3A_45 = arith.addi %mul3A_2, %mul3A_44 : i32
      %mul3A_46 = arith.constant 1024 : i32
      %mul3A_47 = arith.muli %add3A_45, %mul3A_46 : i32
      %dma_wait3A_48 = tpu.memref_slice %arg3[%mul3A_47] : memref<5120000xf32, #tpu.memory_space<hbm>> -> memref<16384xf32, #tpu.memory_space<hbm>>
      %dma_wait3A_49 = tpu.memref_slice %arg3[%mul3A_47] : memref<5120000xf32, #tpu.memory_space<hbm>> -> memref<16384xf32, #tpu.memory_space<hbm>>
      tpu.wait_dma2 semaphore(%arg9 : memref<!tpu.dma_semaphore, #tpu.memory_space<semaphore_mem>>) src(%dma_wait3A_49 : memref<16384xf32, #tpu.memory_space<hbm>>) dst(%arg5 : memref<16384xf32, #tpu.memory_space<vmem>>)
      %mul3A_50 = arith.constant 2 : i32
      %mul3A_51 = arith.muli %mul3A_50, %scan3A_36 : i32
      %add3A_52 = arith.constant 1 : i32
      %add3A_53 = arith.addi %mul3A_51, %add3A_52 : i32
      %mul3A_54 = arith.constant 16 : i32
      %mul3A_55 = arith.muli %add3A_53, %mul3A_54 : i32
      %add3A_56 = arith.addi %mul3A_2, %mul3A_55 : i32
      %mul3A_57 = arith.constant 1024 : i32
      %mul3A_58 = arith.muli %add3A_56, %mul3A_57 : i32
      %dma_start3A_59 = tpu.memref_slice %arg3[%mul3A_58] : memref<5120000xf32, #tpu.memory_space<hbm>> -> memref<16384xf32, #tpu.memory_space<hbm>>
      %dma_start3A_60 = tpu.memref_slice %arg3[%mul3A_58] : memref<5120000xf32, #tpu.memory_space<hbm>> -> memref<16384xf32, #tpu.memory_space<hbm>>
      tpu.enqueue_dma source(%dma_start3A_60 : memref<16384xf32, #tpu.memory_space<hbm>>) target(%arg6 : memref<16384xf32, #tpu.memory_space<vmem>>) target_semaphore(%arg10 : memref<!tpu.dma_semaphore, #tpu.memory_space<semaphore_mem>>)
      %mul3A_61 = arith.constant 2 : i32
      %mul3A_62 = arith.muli %mul3A_61, %scan3A_36 : i32
      %add3A_63 = arith.constant 0 : i32
      %add3A_64 = arith.addi %mul3A_62, %add3A_63 : i32
      %gt3A = arith.constant 0 : i32
      %gt3A_65 = arith.cmpi sgt, %scan3A_36, %gt3A : i32
      %convert_element_type3A = arith.extui %gt3A_65 : i1 to i32
      %cond3A = arith.constant 0 : i32
      %cond3A_66 = arith.cmpi ne, %convert_element_type3A, %cond3A : i32
      scf.if %cond3A_66 {
        %add3A_423 = arith.constant 0 : i32
        %add3A_424 = arith.addi %add3A_423, %mul3A_2 : i32
        %mul3A_425 = arith.constant 16 : i32
        %mul3A_426 = arith.muli %add3A_40, %mul3A_425 : i32
        %add3A_427 = arith.addi %add3A_424, %mul3A_426 : i32
        %mul3A_428 = arith.constant 1024 : i32
        %mul3A_429 = arith.muli %add3A_427, %mul3A_428 : i32
        %dma_wait3A_430 = tpu.memref_slice %arg4[%mul3A_429] : memref<16777216xf32, #tpu.memory_space<hbm>> -> memref<16384xf32, #tpu.memory_space<hbm>>
        %dma_wait3A_431 = tpu.memref_slice %arg4[%mul3A_429] : memref<16777216xf32, #tpu.memory_space<hbm>> -> memref<16384xf32, #tpu.memory_space<hbm>>
        tpu.wait_dma2 semaphore(%arg14 : memref<!tpu.dma_semaphore, #tpu.memory_space<semaphore_mem>>) src(%arg8 : memref<16384xf32, #tpu.memory_space<vmem>>) dst(%dma_wait3A_431 : memref<16384xf32, #tpu.memory_space<hbm>>)
      } else {
      }
      %add3A_67 = arith.constant 4096 : i32
      %add3A_68 = arith.addi %add3A_67, %mul3A_2 : i32
      %mul3A_69 = arith.constant 16 : i32
      %mul3A_70 = arith.muli %add3A_64, %mul3A_69 : i32
      %add3A_71 = arith.addi %add3A_68, %mul3A_70 : i32
      %mul3A_72 = arith.constant 1024 : i32
      %mul3A_73 = arith.muli %add3A_71, %mul3A_72 : i32
      %dma_start3A_74 = tpu.memref_slice %arg2[%mul3A_73] : memref<16777216xf32, #tpu.memory_space<hbm>> -> memref<16384xf32, #tpu.memory_space<hbm>>
      %dma_start3A_75 = tpu.memref_slice %arg2[%mul3A_73] : memref<16777216xf32, #tpu.memory_space<hbm>> -> memref<16384xf32, #tpu.memory_space<hbm>>
      tpu.enqueue_dma source(%dma_start3A_75 : memref<16384xf32, #tpu.memory_space<hbm>>) target(%arg8 : memref<16384xf32, #tpu.memory_space<vmem>>) target_semaphore(%arg12 : memref<!tpu.dma_semaphore, #tpu.memory_space<semaphore_mem>>)
      %add3A_76 = arith.constant 0 : i32
      %add3A_77 = arith.addi %add3A_76, %mul3A_2 : i32
      %mul3A_78 = arith.constant 16 : i32
      %mul3A_79 = arith.muli %add3A_40, %mul3A_78 : i32
      %add3A_80 = arith.addi %add3A_77, %mul3A_79 : i32
      %mul3A_81 = arith.constant 1024 : i32
      %mul3A_82 = arith.muli %add3A_80, %mul3A_81 : i32
      %dma_wait3A_83 = tpu.memref_slice %arg2[%mul3A_82] : memref<16777216xf32, #tpu.memory_space<hbm>> -> memref<16384xf32, #tpu.memory_space<hbm>>
      %dma_wait3A_84 = tpu.memref_slice %arg2[%mul3A_82] : memref<16777216xf32, #tpu.memory_space<hbm>> -> memref<16384xf32, #tpu.memory_space<hbm>>
      tpu.wait_dma2 semaphore(%arg11 : memref<!tpu.dma_semaphore, #tpu.memory_space<semaphore_mem>>) src(%dma_wait3A_84 : memref<16384xf32, #tpu.memory_space<hbm>>) dst(%arg7 : memref<16384xf32, #tpu.memory_space<vmem>>)
      %parallel_loop3A = arith.constant 0 : i32
      %parallel_loop3A_85 = arith.constant 1024 : i32
      %parallel_loop3A_86 = arith.constant 1 : i32
      scf.for %parallel_loop3A_423 = %parallel_loop3A to %parallel_loop3A_85 step %parallel_loop3A_86  : i32 {
        %parallel_loop3A_424 = arith.constant 16 : i32
        %parallel_loop3A_425 = arith.muli %parallel_loop3A_423, %parallel_loop3A_424 : i32
        %parallel_loop3A_426 = arith.index_cast %parallel_loop3A_425 : i32 to index
        %parallel_loop3A_427 = tpu.vector_load %arg5[%parallel_loop3A_426] {strides = array<i32>} : memref<16384xf32, #tpu.memory_space<vmem>>, vector<16xf32>,
        %parallel_loop3A_428 = vector.shape_cast %parallel_loop3A_427 : vector<16xf32> to vector<16xf32>
        %parallel_loop3A_429 = arith.index_cast %parallel_loop3A_425 : i32 to index
        %parallel_loop3A_430 = tpu.vector_load %arg7[%parallel_loop3A_429] {strides = array<i32>} : memref<16384xf32, #tpu.memory_space<vmem>>, vector<16xf32>,
        %parallel_loop3A_431 = vector.shape_cast %parallel_loop3A_430 : vector<16xf32> to vector<16xf32>
        %parallel_loop3A_432 = vector.shape_cast %parallel_loop3A_428 : vector<16xf32> to vector<16xf32>
        tpu.vector_store %arg7[%parallel_loop3A_429], %parallel_loop3A_432 {add = true, strides = array<i32>} : memref<16384xf32, #tpu.memory_space<vmem>>, vector<16xf32>,
      } {sc.loop_unroll_factor = 8 : i64, sc.parallel_access}
      %add3A_87 = arith.constant 0 : i32
      %add3A_88 = arith.addi %add3A_87, %mul3A_2 : i32
      %mul3A_89 = arith.constant 16 : i32
      %mul3A_90 = arith.muli %add3A_40, %mul3A_89 : i32
      %add3A_91 = arith.addi %add3A_88, %mul3A_90 : i32
      %mul3A_92 = arith.constant 1024 : i32
      %mul3A_93 = arith.muli %add3A_91, %mul3A_92 : i32
      %dma_start3A_94 = tpu.memref_slice %arg4[%mul3A_93] : memref<16777216xf32, #tpu.memory_space<hbm>> -> memref<16384xf32, #tpu.memory_space<hbm>>
      %dma_start3A_95 = tpu.memref_slice %arg4[%mul3A_93] : memref<16777216xf32, #tpu.memory_space<hbm>> -> memref<16384xf32, #tpu.memory_space<hbm>>
      tpu.enqueue_dma source(%arg7 : memref<16384xf32, #tpu.memory_space<vmem>>) target(%dma_start3A_95 : memref<16384xf32, #tpu.memory_space<hbm>>) target_semaphore(%arg13 : memref<!tpu.dma_semaphore, #tpu.memory_space<semaphore_mem>>)
      %mul3A_96 = arith.constant 2 : i32
      %mul3A_97 = arith.muli %mul3A_96, %scan3A_36 : i32
      %add3A_98 = arith.constant 0 : i32
      %add3A_99 = arith.addi %mul3A_97, %add3A_98 : i32
      %mul3A_100 = arith.constant 2 : i32
      %mul3A_101 = arith.muli %mul3A_100, %scan3A_36 : i32
      %add3A_102 = arith.constant 0 : i32
      %add3A_103 = arith.addi %mul3A_101, %add3A_102 : i32
      %add3A_104 = arith.constant 4096 : i32
      %add3A_105 = arith.addi %add3A_104, %mul3A_2 : i32
      %mul3A_106 = arith.constant 16 : i32
      %mul3A_107 = arith.muli %add3A_99, %mul3A_106 : i32
      %add3A_108 = arith.addi %add3A_105, %mul3A_107 : i32
      %mul3A_109 = arith.constant 1024 : i32
      %mul3A_110 = arith.muli %add3A_108, %mul3A_109 : i32
      %dma_wait3A_111 = tpu.memref_slice %arg4[%mul3A_110] : memref<16777216xf32, #tpu.memory_space<hbm>> -> memref<16384xf32, #tpu.memory_space<hbm>>
      %dma_wait3A_112 = tpu.memref_slice %arg4[%mul3A_110] : memref<16777216xf32, #tpu.memory_space<hbm>> -> memref<16384xf32, #tpu.memory_space<hbm>>
      tpu.wait_dma2 semaphore(%arg13 : memref<!tpu.dma_semaphore, #tpu.memory_space<semaphore_mem>>) src(%arg7 : memref<16384xf32, #tpu.memory_space<vmem>>) dst(%dma_wait3A_112 : memref<16384xf32, #tpu.memory_space<hbm>>)
      %add3A_113 = arith.constant 8192 : i32
      %add3A_114 = arith.addi %add3A_113, %mul3A_2 : i32
      %mul3A_115 = arith.constant 16 : i32
      %mul3A_116 = arith.muli %add3A_103, %mul3A_115 : i32
      %add3A_117 = arith.addi %add3A_114, %mul3A_116 : i32
      %mul3A_118 = arith.constant 1024 : i32
      %mul3A_119 = arith.muli %add3A_117, %mul3A_118 : i32
      %dma_start3A_120 = tpu.memref_slice %arg2[%mul3A_119] : memref<16777216xf32, #tpu.memory_space<hbm>> -> memref<16384xf32, #tpu.memory_space<hbm>>
      %dma_start3A_121 = tpu.memref_slice %arg2[%mul3A_119] : memref<16777216xf32, #tpu.memory_space<hbm>> -> memref<16384xf32, #tpu.memory_space<hbm>>
      tpu.enqueue_dma source(%dma_start3A_121 : memref<16384xf32, #tpu.memory_space<hbm>>) target(%arg7 : memref<16384xf32, #tpu.memory_space<vmem>>) target_semaphore(%arg11 : memref<!tpu.dma_semaphore, #tpu.memory_space<semaphore_mem>>)
      %add3A_122 = arith.constant 4096 : i32
      %add3A_123 = arith.addi %add3A_122, %mul3A_2 : i32
      %mul3A_124 = arith.constant 16 : i32
      %mul3A_125 = arith.muli %add3A_99, %mul3A_124 : i32
      %add3A_126 = arith.addi %add3A_123, %mul3A_125 : i32
      %mul3A_127 = arith.constant 1024 : i32
      %mul3A_128 = arith.muli %add3A_126, %mul3A_127 : i32
      %dma_wait3A_129 = tpu.memref_slice %arg2[%mul3A_128] : memref<16777216xf32, #tpu.memory_space<hbm>> -> memref<16384xf32, #tpu.memory_space<hbm>>
      %dma_wait3A_130 = tpu.memref_slice %arg2[%mul3A_128] : memref<16777216xf32, #tpu.memory_space<hbm>> -> memref<16384xf32, #tpu.memory_space<hbm>>
      tpu.wait_dma2 semaphore(%arg12 : memref<!tpu.dma_semaphore, #tpu.memory_space<semaphore_mem>>) src(%dma_wait3A_130 : memref<16384xf32, #tpu.memory_space<hbm>>) dst(%arg8 : memref<16384xf32, #tpu.memory_space<vmem>>)
      %parallel_loop3A_131 = arith.constant 0 : i32
      %parallel_loop3A_132 = arith.constant 1024 : i32
      %parallel_loop3A_133 = arith.constant 1 : i32
      scf.for %parallel_loop3A_423 = %parallel_loop3A_131 to %parallel_loop3A_132 step %parallel_loop3A_133  : i32 {
        %parallel_loop3A_424 = arith.constant 16 : i32
        %parallel_loop3A_425 = arith.muli %parallel_loop3A_423, %parallel_loop3A_424 : i32
        %parallel_loop3A_426 = arith.index_cast %parallel_loop3A_425 : i32 to index
        %parallel_loop3A_427 = tpu.vector_load %arg5[%parallel_loop3A_426] {strides = array<i32>} : memref<16384xf32, #tpu.memory_space<vmem>>, vector<16xf32>,
        %parallel_loop3A_428 = vector.shape_cast %parallel_loop3A_427 : vector<16xf32> to vector<16xf32>
        %parallel_loop3A_429 = arith.index_cast %parallel_loop3A_425 : i32 to index
        %parallel_loop3A_430 = tpu.vector_load %arg8[%parallel_loop3A_429] {strides = array<i32>} : memref<16384xf32, #tpu.memory_space<vmem>>, vector<16xf32>,
        %parallel_loop3A_431 = vector.shape_cast %parallel_loop3A_430 : vector<16xf32> to vector<16xf32>
        %parallel_loop3A_432 = vector.shape_cast %parallel_loop3A_428 : vector<16xf32> to vector<16xf32>
        tpu.vector_store %arg8[%parallel_loop3A_429], %parallel_loop3A_432 {add = true, strides = array<i32>} : memref<16384xf32, #tpu.memory_space<vmem>>, vector<16xf32>,
      } {sc.loop_unroll_factor = 8 : i64, sc.parallel_access}
      %add3A_134 = arith.constant 4096 : i32
      %add3A_135 = arith.addi %add3A_134, %mul3A_2 : i32
      %mul3A_136 = arith.constant 16 : i32
      %mul3A_137 = arith.muli %add3A_99, %mul3A_136 : i32
      %add3A_138 = arith.addi %add3A_135, %mul3A_137 : i32
      %mul3A_139 = arith.constant 1024 : i32
      %mul3A_140 = arith.muli %add3A_138, %mul3A_139 : i32
      %dma_start3A_141 = tpu.memref_slice %arg4[%mul3A_140] : memref<16777216xf32, #tpu.memory_space<hbm>> -> memref<16384xf32, #tpu.memory_space<hbm>>
      %dma_start3A_142 = tpu.memref_slice %arg4[%mul3A_140] : memref<16777216xf32, #tpu.memory_space<hbm>> -> memref<16384xf32, #tpu.memory_space<hbm>>
      tpu.enqueue_dma source(%arg8 : memref<16384xf32, #tpu.memory_space<vmem>>) target(%dma_start3A_142 : memref<16384xf32, #tpu.memory_space<hbm>>) target_semaphore(%arg14 : memref<!tpu.dma_semaphore, #tpu.memory_space<semaphore_mem>>)
      %mul3A_143 = arith.constant 2 : i32
      %mul3A_144 = arith.muli %mul3A_143, %scan3A_36 : i32
      %add3A_145 = arith.constant 0 : i32
      %add3A_146 = arith.addi %mul3A_144, %add3A_145 : i32
      %mul3A_147 = arith.constant 2 : i32
      %mul3A_148 = arith.muli %mul3A_147, %scan3A_36 : i32
      %add3A_149 = arith.constant 0 : i32
      %add3A_150 = arith.addi %mul3A_148, %add3A_149 : i32
      %add3A_151 = arith.constant 8192 : i32
      %add3A_152 = arith.addi %add3A_151, %mul3A_2 : i32
      %mul3A_153 = arith.constant 16 : i32
      %mul3A_154 = arith.muli %add3A_146, %mul3A_153 : i32
      %add3A_155 = arith.addi %add3A_152, %mul3A_154 : i32
      %mul3A_156 = arith.constant 1024 : i32
      %mul3A_157 = arith.muli %add3A_155, %mul3A_156 : i32
      %dma_wait3A_158 = tpu.memref_slice %arg4[%mul3A_157] : memref<16777216xf32, #tpu.memory_space<hbm>> -> memref<16384xf32, #tpu.memory_space<hbm>>
      %dma_wait3A_159 = tpu.memref_slice %arg4[%mul3A_157] : memref<16777216xf32, #tpu.memory_space<hbm>> -> memref<16384xf32, #tpu.memory_space<hbm>>
      tpu.wait_dma2 semaphore(%arg14 : memref<!tpu.dma_semaphore, #tpu.memory_space<semaphore_mem>>) src(%arg8 : memref<16384xf32, #tpu.memory_space<vmem>>) dst(%dma_wait3A_159 : memref<16384xf32, #tpu.memory_space<hbm>>)
      %add3A_160 = arith.constant 12288 : i32
      %add3A_161 = arith.addi %add3A_160, %mul3A_2 : i32
      %mul3A_162 = arith.constant 16 : i32
      %mul3A_163 = arith.muli %add3A_150, %mul3A_162 : i32
      %add3A_164 = arith.addi %add3A_161, %mul3A_163 : i32
      %mul3A_165 = arith.constant 1024 : i32
      %mul3A_166 = arith.muli %add3A_164, %mul3A_165 : i32
      %dma_start3A_167 = tpu.memref_slice %arg2[%mul3A_166] : memref<16777216xf32, #tpu.memory_space<hbm>> -> memref<16384xf32, #tpu.memory_space<hbm>>
      %dma_start3A_168 = tpu.memref_slice %arg2[%mul3A_166] : memref<16777216xf32, #tpu.memory_space<hbm>> -> memref<16384xf32, #tpu.memory_space<hbm>>
      tpu.enqueue_dma source(%dma_start3A_168 : memref<16384xf32, #tpu.memory_space<hbm>>) target(%arg8 : memref<16384xf32, #tpu.memory_space<vmem>>) target_semaphore(%arg12 : memref<!tpu.dma_semaphore, #tpu.memory_space<semaphore_mem>>)
      %add3A_169 = arith.constant 8192 : i32
      %add3A_170 = arith.addi %add3A_169, %mul3A_2 : i32
      %mul3A_171 = arith.constant 16 : i32
      %mul3A_172 = arith.muli %add3A_146, %mul3A_171 : i32
      %add3A_173 = arith.addi %add3A_170, %mul3A_172 : i32
      %mul3A_174 = arith.constant 1024 : i32
      %mul3A_175 = arith.muli %add3A_173, %mul3A_174 : i32
      %dma_wait3A_176 = tpu.memref_slice %arg2[%mul3A_175] : memref<16777216xf32, #tpu.memory_space<hbm>> -> memref<16384xf32, #tpu.memory_space<hbm>>
      %dma_wait3A_177 = tpu.memref_slice %arg2[%mul3A_175] : memref<16777216xf32, #tpu.memory_space<hbm>> -> memref<16384xf32, #tpu.memory_space<hbm>>
      tpu.wait_dma2 semaphore(%arg11 : memref<!tpu.dma_semaphore, #tpu.memory_space<semaphore_mem>>) src(%dma_wait3A_177 : memref<16384xf32, #tpu.memory_space<hbm>>) dst(%arg7 : memref<16384xf32, #tpu.memory_space<vmem>>)
      %parallel_loop3A_178 = arith.constant 0 : i32
      %parallel_loop3A_179 = arith.constant 1024 : i32
      %parallel_loop3A_180 = arith.constant 1 : i32
      scf.for %parallel_loop3A_423 = %parallel_loop3A_178 to %parallel_loop3A_179 step %parallel_loop3A_180  : i32 {
        %parallel_loop3A_424 = arith.constant 16 : i32
        %parallel_loop3A_425 = arith.muli %parallel_loop3A_423, %parallel_loop3A_424 : i32
        %parallel_loop3A_426 = arith.index_cast %parallel_loop3A_425 : i32 to index
        %parallel_loop3A_427 = tpu.vector_load %arg5[%parallel_loop3A_426] {strides = array<i32>} : memref<16384xf32, #tpu.memory_space<vmem>>, vector<16xf32>,
        %parallel_loop3A_428 = vector.shape_cast %parallel_loop3A_427 : vector<16xf32> to vector<16xf32>
        %parallel_loop3A_429 = arith.index_cast %parallel_loop3A_425 : i32 to index
        %parallel_loop3A_430 = tpu.vector_load %arg7[%parallel_loop3A_429] {strides = array<i32>} : memref<16384xf32, #tpu.memory_space<vmem>>, vector<16xf32>,
        %parallel_loop3A_431 = vector.shape_cast %parallel_loop3A_430 : vector<16xf32> to vector<16xf32>
        %parallel_loop3A_432 = vector.shape_cast %parallel_loop3A_428 : vector<16xf32> to vector<16xf32>
        tpu.vector_store %arg7[%parallel_loop3A_429], %parallel_loop3A_432 {add = true, strides = array<i32>} : memref<16384xf32, #tpu.memory_space<vmem>>, vector<16xf32>,
      } {sc.loop_unroll_factor = 8 : i64, sc.parallel_access}
      %add3A_181 = arith.constant 8192 : i32
      %add3A_182 = arith.addi %add3A_181, %mul3A_2 : i32
      %mul3A_183 = arith.constant 16 : i32
      %mul3A_184 = arith.muli %add3A_146, %mul3A_183 : i32
      %add3A_185 = arith.addi %add3A_182, %mul3A_184 : i32
      %mul3A_186 = arith.constant 1024 : i32
      %mul3A_187 = arith.muli %add3A_185, %mul3A_186 : i32
      %dma_start3A_188 = tpu.memref_slice %arg4[%mul3A_187] : memref<16777216xf32, #tpu.memory_space<hbm>> -> memref<16384xf32, #tpu.memory_space<hbm>>
      %dma_start3A_189 = tpu.memref_slice %arg4[%mul3A_187] : memref<16777216xf32, #tpu.memory_space<hbm>> -> memref<16384xf32, #tpu.memory_space<hbm>>
      tpu.enqueue_dma source(%arg7 : memref<16384xf32, #tpu.memory_space<vmem>>) target(%dma_start3A_189 : memref<16384xf32, #tpu.memory_space<hbm>>) target_semaphore(%arg13 : memref<!tpu.dma_semaphore, #tpu.memory_space<semaphore_mem>>)
      %mul3A_190 = arith.constant 2 : i32
      %mul3A_191 = arith.muli %mul3A_190, %scan3A_36 : i32
      %add3A_192 = arith.constant 0 : i32
      %add3A_193 = arith.addi %mul3A_191, %add3A_192 : i32
      %mul3A_194 = arith.constant 2 : i32
      %mul3A_195 = arith.muli %mul3A_194, %scan3A_36 : i32
      %add3A_196 = arith.constant 1 : i32
      %add3A_197 = arith.addi %mul3A_195, %add3A_196 : i32
      %add3A_198 = arith.constant 12288 : i32
      %add3A_199 = arith.addi %add3A_198, %mul3A_2 : i32
      %mul3A_200 = arith.constant 16 : i32
      %mul3A_201 = arith.muli %add3A_193, %mul3A_200 : i32
      %add3A_202 = arith.addi %add3A_199, %mul3A_201 : i32
      %mul3A_203 = arith.constant 1024 : i32
      %mul3A_204 = arith.muli %add3A_202, %mul3A_203 : i32
      %dma_wait3A_205 = tpu.memref_slice %arg4[%mul3A_204] : memref<16777216xf32, #tpu.memory_space<hbm>> -> memref<16384xf32, #tpu.memory_space<hbm>>
      %dma_wait3A_206 = tpu.memref_slice %arg4[%mul3A_204] : memref<16777216xf32, #tpu.memory_space<hbm>> -> memref<16384xf32, #tpu.memory_space<hbm>>
      tpu.wait_dma2 semaphore(%arg13 : memref<!tpu.dma_semaphore, #tpu.memory_space<semaphore_mem>>) src(%arg7 : memref<16384xf32, #tpu.memory_space<vmem>>) dst(%dma_wait3A_206 : memref<16384xf32, #tpu.memory_space<hbm>>)
      %add3A_207 = arith.constant 0 : i32
      %add3A_208 = arith.addi %add3A_207, %mul3A_2 : i32
      %mul3A_209 = arith.constant 16 : i32
      %mul3A_210 = arith.muli %add3A_197, %mul3A_209 : i32
      %add3A_211 = arith.addi %add3A_208, %mul3A_210 : i32
      %mul3A_212 = arith.constant 1024 : i32
      %mul3A_213 = arith.muli %add3A_211, %mul3A_212 : i32
      %dma_start3A_214 = tpu.memref_slice %arg2[%mul3A_213] : memref<16777216xf32, #tpu.memory_space<hbm>> -> memref<16384xf32, #tpu.memory_space<hbm>>
      %dma_start3A_215 = tpu.memref_slice %arg2[%mul3A_213] : memref<16777216xf32, #tpu.memory_space<hbm>> -> memref<16384xf32, #tpu.memory_space<hbm>>
      tpu.enqueue_dma source(%dma_start3A_215 : memref<16384xf32, #tpu.memory_space<hbm>>) target(%arg7 : memref<16384xf32, #tpu.memory_space<vmem>>) target_semaphore(%arg11 : memref<!tpu.dma_semaphore, #tpu.memory_space<semaphore_mem>>)
      %add3A_216 = arith.constant 12288 : i32
      %add3A_217 = arith.addi %add3A_216, %mul3A_2 : i32
      %mul3A_218 = arith.constant 16 : i32
      %mul3A_219 = arith.muli %add3A_193, %mul3A_218 : i32
      %add3A_220 = arith.addi %add3A_217, %mul3A_219 : i32
      %mul3A_221 = arith.constant 1024 : i32
      %mul3A_222 = arith.muli %add3A_220, %mul3A_221 : i32
      %dma_wait3A_223 = tpu.memref_slice %arg2[%mul3A_222] : memref<16777216xf32, #tpu.memory_space<hbm>> -> memref<16384xf32, #tpu.memory_space<hbm>>
      %dma_wait3A_224 = tpu.memref_slice %arg2[%mul3A_222] : memref<16777216xf32, #tpu.memory_space<hbm>> -> memref<16384xf32, #tpu.memory_space<hbm>>
      tpu.wait_dma2 semaphore(%arg12 : memref<!tpu.dma_semaphore, #tpu.memory_space<semaphore_mem>>) src(%dma_wait3A_224 : memref<16384xf32, #tpu.memory_space<hbm>>) dst(%arg8 : memref<16384xf32, #tpu.memory_space<vmem>>)
      %parallel_loop3A_225 = arith.constant 0 : i32
      %parallel_loop3A_226 = arith.constant 1024 : i32
      %parallel_loop3A_227 = arith.constant 1 : i32
      scf.for %parallel_loop3A_423 = %parallel_loop3A_225 to %parallel_loop3A_226 step %parallel_loop3A_227  : i32 {
        %parallel_loop3A_424 = arith.constant 16 : i32
        %parallel_loop3A_425 = arith.muli %parallel_loop3A_423, %parallel_loop3A_424 : i32
        %parallel_loop3A_426 = arith.index_cast %parallel_loop3A_425 : i32 to index
        %parallel_loop3A_427 = tpu.vector_load %arg5[%parallel_loop3A_426] {strides = array<i32>} : memref<16384xf32, #tpu.memory_space<vmem>>, vector<16xf32>,
        %parallel_loop3A_428 = vector.shape_cast %parallel_loop3A_427 : vector<16xf32> to vector<16xf32>
        %parallel_loop3A_429 = arith.index_cast %parallel_loop3A_425 : i32 to index
        %parallel_loop3A_430 = tpu.vector_load %arg8[%parallel_loop3A_429] {strides = array<i32>} : memref<16384xf32, #tpu.memory_space<vmem>>, vector<16xf32>,
        %parallel_loop3A_431 = vector.shape_cast %parallel_loop3A_430 : vector<16xf32> to vector<16xf32>
        %parallel_loop3A_432 = vector.shape_cast %parallel_loop3A_428 : vector<16xf32> to vector<16xf32>
        tpu.vector_store %arg8[%parallel_loop3A_429], %parallel_loop3A_432 {add = true, strides = array<i32>} : memref<16384xf32, #tpu.memory_space<vmem>>, vector<16xf32>,
      } {sc.loop_unroll_factor = 8 : i64, sc.parallel_access}
      %add3A_228 = arith.constant 12288 : i32
      %add3A_229 = arith.addi %add3A_228, %mul3A_2 : i32
      %mul3A_230 = arith.constant 16 : i32
      %mul3A_231 = arith.muli %add3A_193, %mul3A_230 : i32
      %add3A_232 = arith.addi %add3A_229, %mul3A_231 : i32
      %mul3A_233 = arith.constant 1024 : i32
      %mul3A_234 = arith.muli %add3A_232, %mul3A_233 : i32
      %dma_start3A_235 = tpu.memref_slice %arg4[%mul3A_234] : memref<16777216xf32, #tpu.memory_space<hbm>> -> memref<16384xf32, #tpu.memory_space<hbm>>
      %dma_start3A_236 = tpu.memref_slice %arg4[%mul3A_234] : memref<16777216xf32, #tpu.memory_space<hbm>> -> memref<16384xf32, #tpu.memory_space<hbm>>
      tpu.enqueue_dma source(%arg8 : memref<16384xf32, #tpu.memory_space<vmem>>) target(%dma_start3A_236 : memref<16384xf32, #tpu.memory_space<hbm>>) target_semaphore(%arg14 : memref<!tpu.dma_semaphore, #tpu.memory_space<semaphore_mem>>)
      %mul3A_237 = arith.constant 2 : i32
      %mul3A_238 = arith.muli %mul3A_237, %scan3A_36 : i32
      %add3A_239 = arith.constant 1 : i32
      %add3A_240 = arith.addi %mul3A_238, %add3A_239 : i32
      %mul3A_241 = arith.constant 2 : i32
      %mul3A_242 = arith.muli %mul3A_241, %scan3A_36 : i32
      %add3A_243 = arith.constant 1 : i32
      %add3A_244 = arith.addi %mul3A_242, %add3A_243 : i32
      %mul3A_245 = arith.constant 16 : i32
      %mul3A_246 = arith.muli %add3A_244, %mul3A_245 : i32
      %add3A_247 = arith.addi %mul3A_2, %mul3A_246 : i32
      %mul3A_248 = arith.constant 1024 : i32
      %mul3A_249 = arith.muli %add3A_247, %mul3A_248 : i32
      %dma_wait3A_250 = tpu.memref_slice %arg3[%mul3A_249] : memref<5120000xf32, #tpu.memory_space<hbm>> -> memref<16384xf32, #tpu.memory_space<hbm>>
      %dma_wait3A_251 = tpu.memref_slice %arg3[%mul3A_249] : memref<5120000xf32, #tpu.memory_space<hbm>> -> memref<16384xf32, #tpu.memory_space<hbm>>
      tpu.wait_dma2 semaphore(%arg10 : memref<!tpu.dma_semaphore, #tpu.memory_space<semaphore_mem>>) src(%dma_wait3A_251 : memref<16384xf32, #tpu.memory_space<hbm>>) dst(%arg6 : memref<16384xf32, #tpu.memory_space<vmem>>)
      %lt3A = arith.constant 3 : i32
      %lt3A_252 = arith.cmpi slt, %scan3A_36, %lt3A : i32
      %convert_element_type3A_253 = arith.extui %lt3A_252 : i1 to i32
      %cond3A_254 = arith.constant 0 : i32
      %cond3A_255 = arith.cmpi ne, %convert_element_type3A_253, %cond3A_254 : i32
      scf.if %cond3A_255 {
        %mul3A_423 = arith.constant 2 : i32
        %mul3A_424 = arith.muli %mul3A_423, %scan3A_36 : i32
        %add3A_425 = arith.constant 2 : i32
        %add3A_426 = arith.addi %mul3A_424, %add3A_425 : i32
        %mul3A_427 = arith.constant 16 : i32
        %mul3A_428 = arith.muli %add3A_426, %mul3A_427 : i32
        %add3A_429 = arith.addi %mul3A_2, %mul3A_428 : i32
        %mul3A_430 = arith.constant 1024 : i32
        %mul3A_431 = arith.muli %add3A_429, %mul3A_430 : i32
        %dma_start3A_432 = tpu.memref_slice %arg3[%mul3A_431] : memref<5120000xf32, #tpu.memory_space<hbm>> -> memref<16384xf32, #tpu.memory_space<hbm>>
        %dma_start3A_433 = tpu.memref_slice %arg3[%mul3A_431] : memref<5120000xf32, #tpu.memory_space<hbm>> -> memref<16384xf32, #tpu.memory_space<hbm>>
        tpu.enqueue_dma source(%dma_start3A_433 : memref<16384xf32, #tpu.memory_space<hbm>>) target(%arg5 : memref<16384xf32, #tpu.memory_space<vmem>>) target_semaphore(%arg9 : memref<!tpu.dma_semaphore, #tpu.memory_space<semaphore_mem>>)
      } else {
      }
      %mul3A_256 = arith.constant 2 : i32
      %mul3A_257 = arith.muli %mul3A_256, %scan3A_36 : i32
      %add3A_258 = arith.constant 1 : i32
      %add3A_259 = arith.addi %mul3A_257, %add3A_258 : i32
      %add3A_260 = arith.constant 0 : i32
      %add3A_261 = arith.addi %add3A_260, %mul3A_2 : i32
      %mul3A_262 = arith.constant 16 : i32
      %mul3A_263 = arith.muli %add3A_240, %mul3A_262 : i32
      %add3A_264 = arith.addi %add3A_261, %mul3A_263 : i32
      %mul3A_265 = arith.constant 1024 : i32
      %mul3A_266 = arith.muli %add3A_264, %mul3A_265 : i32
      %dma_wait3A_267 = tpu.memref_slice %arg4[%mul3A_266] : memref<16777216xf32, #tpu.memory_space<hbm>> -> memref<16384xf32, #tpu.memory_space<hbm>>
      %dma_wait3A_268 = tpu.memref_slice %arg4[%mul3A_266] : memref<16777216xf32, #tpu.memory_space<hbm>> -> memref<16384xf32, #tpu.memory_space<hbm>>
      tpu.wait_dma2 semaphore(%arg14 : memref<!tpu.dma_semaphore, #tpu.memory_space<semaphore_mem>>) src(%arg8 : memref<16384xf32, #tpu.memory_space<vmem>>) dst(%dma_wait3A_268 : memref<16384xf32, #tpu.memory_space<hbm>>)
      %add3A_269 = arith.constant 4096 : i32
      %add3A_270 = arith.addi %add3A_269, %mul3A_2 : i32
      %mul3A_271 = arith.constant 16 : i32
      %mul3A_272 = arith.muli %add3A_259, %mul3A_271 : i32
      %add3A_273 = arith.addi %add3A_270, %mul3A_272 : i32
      %mul3A_274 = arith.constant 1024 : i32
      %mul3A_275 = arith.muli %add3A_273, %mul3A_274 : i32
      %dma_start3A_276 = tpu.memref_slice %arg2[%mul3A_275] : memref<16777216xf32, #tpu.memory_space<hbm>> -> memref<16384xf32, #tpu.memory_space<hbm>>
      %dma_start3A_277 = tpu.memref_slice %arg2[%mul3A_275] : memref<16777216xf32, #tpu.memory_space<hbm>> -> memref<16384xf32, #tpu.memory_space<hbm>>
      tpu.enqueue_dma source(%dma_start3A_277 : memref<16384xf32, #tpu.memory_space<hbm>>) target(%arg8 : memref<16384xf32, #tpu.memory_space<vmem>>) target_semaphore(%arg12 : memref<!tpu.dma_semaphore, #tpu.memory_space<semaphore_mem>>)
      %add3A_278 = arith.constant 0 : i32
      %add3A_279 = arith.addi %add3A_278, %mul3A_2 : i32
      %mul3A_280 = arith.constant 16 : i32
      %mul3A_281 = arith.muli %add3A_240, %mul3A_280 : i32
      %add3A_282 = arith.addi %add3A_279, %mul3A_281 : i32
      %mul3A_283 = arith.constant 1024 : i32
      %mul3A_284 = arith.muli %add3A_282, %mul3A_283 : i32
      %dma_wait3A_285 = tpu.memref_slice %arg2[%mul3A_284] : memref<16777216xf32, #tpu.memory_space<hbm>> -> memref<16384xf32, #tpu.memory_space<hbm>>
      %dma_wait3A_286 = tpu.memref_slice %arg2[%mul3A_284] : memref<16777216xf32, #tpu.memory_space<hbm>> -> memref<16384xf32, #tpu.memory_space<hbm>>
      tpu.wait_dma2 semaphore(%arg11 : memref<!tpu.dma_semaphore, #tpu.memory_space<semaphore_mem>>) src(%dma_wait3A_286 : memref<16384xf32, #tpu.memory_space<hbm>>) dst(%arg7 : memref<16384xf32, #tpu.memory_space<vmem>>)
      %parallel_loop3A_287 = arith.constant 0 : i32
      %parallel_loop3A_288 = arith.constant 1024 : i32
      %parallel_loop3A_289 = arith.constant 1 : i32
      scf.for %parallel_loop3A_423 = %parallel_loop3A_287 to %parallel_loop3A_288 step %parallel_loop3A_289  : i32 {
        %parallel_loop3A_424 = arith.constant 16 : i32
        %parallel_loop3A_425 = arith.muli %parallel_loop3A_423, %parallel_loop3A_424 : i32
        %parallel_loop3A_426 = arith.index_cast %parallel_loop3A_425 : i32 to index
        %parallel_loop3A_427 = tpu.vector_load %arg6[%parallel_loop3A_426] {strides = array<i32>} : memref<16384xf32, #tpu.memory_space<vmem>>, vector<16xf32>,
        %parallel_loop3A_428 = vector.shape_cast %parallel_loop3A_427 : vector<16xf32> to vector<16xf32>
        %parallel_loop3A_429 = arith.index_cast %parallel_loop3A_425 : i32 to index
        %parallel_loop3A_430 = tpu.vector_load %arg7[%parallel_loop3A_429] {strides = array<i32>} : memref<16384xf32, #tpu.memory_space<vmem>>, vector<16xf32>,
        %parallel_loop3A_431 = vector.shape_cast %parallel_loop3A_430 : vector<16xf32> to vector<16xf32>
        %parallel_loop3A_432 = vector.shape_cast %parallel_loop3A_428 : vector<16xf32> to vector<16xf32>
        tpu.vector_store %arg7[%parallel_loop3A_429], %parallel_loop3A_432 {add = true, strides = array<i32>} : memref<16384xf32, #tpu.memory_space<vmem>>, vector<16xf32>,
      } {sc.loop_unroll_factor = 8 : i64, sc.parallel_access}
      %add3A_290 = arith.constant 0 : i32
      %add3A_291 = arith.addi %add3A_290, %mul3A_2 : i32
      %mul3A_292 = arith.constant 16 : i32
      %mul3A_293 = arith.muli %add3A_240, %mul3A_292 : i32
      %add3A_294 = arith.addi %add3A_291, %mul3A_293 : i32
      %mul3A_295 = arith.constant 1024 : i32
      %mul3A_296 = arith.muli %add3A_294, %mul3A_295 : i32
      %dma_start3A_297 = tpu.memref_slice %arg4[%mul3A_296] : memref<16777216xf32, #tpu.memory_space<hbm>> -> memref<16384xf32, #tpu.memory_space<hbm>>
      %dma_start3A_298 = tpu.memref_slice %arg4[%mul3A_296] : memref<16777216xf32, #tpu.memory_space<hbm>> -> memref<16384xf32, #tpu.memory_space<hbm>>
      tpu.enqueue_dma source(%arg7 : memref<16384xf32, #tpu.memory_space<vmem>>) target(%dma_start3A_298 : memref<16384xf32, #tpu.memory_space<hbm>>) target_semaphore(%arg13 : memref<!tpu.dma_semaphore, #tpu.memory_space<semaphore_mem>>)
      %mul3A_299 = arith.constant 2 : i32
      %mul3A_300 = arith.muli %mul3A_299, %scan3A_36 : i32
      %add3A_301 = arith.constant 1 : i32
      %add3A_302 = arith.addi %mul3A_300, %add3A_301 : i32
      %mul3A_303 = arith.constant 2 : i32
      %mul3A_304 = arith.muli %mul3A_303, %scan3A_36 : i32
      %add3A_305 = arith.constant 1 : i32
      %add3A_306 = arith.addi %mul3A_304, %add3A_305 : i32
      %add3A_307 = arith.constant 4096 : i32
      %add3A_308 = arith.addi %add3A_307, %mul3A_2 : i32
      %mul3A_309 = arith.constant 16 : i32
      %mul3A_310 = arith.muli %add3A_302, %mul3A_309 : i32
      %add3A_311 = arith.addi %add3A_308, %mul3A_310 : i32
      %mul3A_312 = arith.constant 1024 : i32
      %mul3A_313 = arith.muli %add3A_311, %mul3A_312 : i32
      %dma_wait3A_314 = tpu.memref_slice %arg4[%mul3A_313] : memref<16777216xf32, #tpu.memory_space<hbm>> -> memref<16384xf32, #tpu.memory_space<hbm>>
      %dma_wait3A_315 = tpu.memref_slice %arg4[%mul3A_313] : memref<16777216xf32, #tpu.memory_space<hbm>> -> memref<16384xf32, #tpu.memory_space<hbm>>
      tpu.wait_dma2 semaphore(%arg13 : memref<!tpu.dma_semaphore, #tpu.memory_space<semaphore_mem>>) src(%arg7 : memref<16384xf32, #tpu.memory_space<vmem>>) dst(%dma_wait3A_315 : memref<16384xf32, #tpu.memory_space<hbm>>)
      %add3A_316 = arith.constant 8192 : i32
      %add3A_317 = arith.addi %add3A_316, %mul3A_2 : i32
      %mul3A_318 = arith.constant 16 : i32
      %mul3A_319 = arith.muli %add3A_306, %mul3A_318 : i32
      %add3A_320 = arith.addi %add3A_317, %mul3A_319 : i32
      %mul3A_321 = arith.constant 1024 : i32
      %mul3A_322 = arith.muli %add3A_320, %mul3A_321 : i32
      %dma_start3A_323 = tpu.memref_slice %arg2[%mul3A_322] : memref<16777216xf32, #tpu.memory_space<hbm>> -> memref<16384xf32, #tpu.memory_space<hbm>>
      %dma_start3A_324 = tpu.memref_slice %arg2[%mul3A_322] : memref<16777216xf32, #tpu.memory_space<hbm>> -> memref<16384xf32, #tpu.memory_space<hbm>>
      tpu.enqueue_dma source(%dma_start3A_324 : memref<16384xf32, #tpu.memory_space<hbm>>) target(%arg7 : memref<16384xf32, #tpu.memory_space<vmem>>) target_semaphore(%arg11 : memref<!tpu.dma_semaphore, #tpu.memory_space<semaphore_mem>>)
      %add3A_325 = arith.constant 4096 : i32
      %add3A_326 = arith.addi %add3A_325, %mul3A_2 : i32
      %mul3A_327 = arith.constant 16 : i32
      %mul3A_328 = arith.muli %add3A_302, %mul3A_327 : i32
      %add3A_329 = arith.addi %add3A_326, %mul3A_328 : i32
      %mul3A_330 = arith.constant 1024 : i32
      %mul3A_331 = arith.muli %add3A_329, %mul3A_330 : i32
      %dma_wait3A_332 = tpu.memref_slice %arg2[%mul3A_331] : memref<16777216xf32, #tpu.memory_space<hbm>> -> memref<16384xf32, #tpu.memory_space<hbm>>
      %dma_wait3A_333 = tpu.memref_slice %arg2[%mul3A_331] : memref<16777216xf32, #tpu.memory_space<hbm>> -> memref<16384xf32, #tpu.memory_space<hbm>>
      tpu.wait_dma2 semaphore(%arg12 : memref<!tpu.dma_semaphore, #tpu.memory_space<semaphore_mem>>) src(%dma_wait3A_333 : memref<16384xf32, #tpu.memory_space<hbm>>) dst(%arg8 : memref<16384xf32, #tpu.memory_space<vmem>>)
      %parallel_loop3A_334 = arith.constant 0 : i32
      %parallel_loop3A_335 = arith.constant 1024 : i32
      %parallel_loop3A_336 = arith.constant 1 : i32
      scf.for %parallel_loop3A_423 = %parallel_loop3A_334 to %parallel_loop3A_335 step %parallel_loop3A_336  : i32 {
        %parallel_loop3A_424 = arith.constant 16 : i32
        %parallel_loop3A_425 = arith.muli %parallel_loop3A_423, %parallel_loop3A_424 : i32
        %parallel_loop3A_426 = arith.index_cast %parallel_loop3A_425 : i32 to index
        %parallel_loop3A_427 = tpu.vector_load %arg6[%parallel_loop3A_426] {strides = array<i32>} : memref<16384xf32, #tpu.memory_space<vmem>>, vector<16xf32>,
        %parallel_loop3A_428 = vector.shape_cast %parallel_loop3A_427 : vector<16xf32> to vector<16xf32>
        %parallel_loop3A_429 = arith.index_cast %parallel_loop3A_425 : i32 to index
        %parallel_loop3A_430 = tpu.vector_load %arg8[%parallel_loop3A_429] {strides = array<i32>} : memref<16384xf32, #tpu.memory_space<vmem>>, vector<16xf32>,
        %parallel_loop3A_431 = vector.shape_cast %parallel_loop3A_430 : vector<16xf32> to vector<16xf32>
        %parallel_loop3A_432 = vector.shape_cast %parallel_loop3A_428 : vector<16xf32> to vector<16xf32>
        tpu.vector_store %arg8[%parallel_loop3A_429], %parallel_loop3A_432 {add = true, strides = array<i32>} : memref<16384xf32, #tpu.memory_space<vmem>>, vector<16xf32>,
      } {sc.loop_unroll_factor = 8 : i64, sc.parallel_access}
      %add3A_337 = arith.constant 4096 : i32
      %add3A_338 = arith.addi %add3A_337, %mul3A_2 : i32
      %mul3A_339 = arith.constant 16 : i32
      %mul3A_340 = arith.muli %add3A_302, %mul3A_339 : i32
      %add3A_341 = arith.addi %add3A_338, %mul3A_340 : i32
      %mul3A_342 = arith.constant 1024 : i32
      %mul3A_343 = arith.muli %add3A_341, %mul3A_342 : i32
      %dma_start3A_344 = tpu.memref_slice %arg4[%mul3A_343] : memref<16777216xf32, #tpu.memory_space<hbm>> -> memref<16384xf32, #tpu.memory_space<hbm>>
      %dma_start3A_345 = tpu.memref_slice %arg4[%mul3A_343] : memref<16777216xf32, #tpu.memory_space<hbm>> -> memref<16384xf32, #tpu.memory_space<hbm>>
      tpu.enqueue_dma source(%arg8 : memref<16384xf32, #tpu.memory_space<vmem>>) target(%dma_start3A_345 : memref<16384xf32, #tpu.memory_space<hbm>>) target_semaphore(%arg14 : memref<!tpu.dma_semaphore, #tpu.memory_space<semaphore_mem>>)
      %mul3A_346 = arith.constant 2 : i32
      %mul3A_347 = arith.muli %mul3A_346, %scan3A_36 : i32
      %add3A_348 = arith.constant 1 : i32
      %add3A_349 = arith.addi %mul3A_347, %add3A_348 : i32
      %mul3A_350 = arith.constant 2 : i32
      %mul3A_351 = arith.muli %mul3A_350, %scan3A_36 : i32
      %add3A_352 = arith.constant 1 : i32
      %add3A_353 = arith.addi %mul3A_351, %add3A_352 : i32
      %add3A_354 = arith.constant 8192 : i32
      %add3A_355 = arith.addi %add3A_354, %mul3A_2 : i32
      %mul3A_356 = arith.constant 16 : i32
      %mul3A_357 = arith.muli %add3A_349, %mul3A_356 : i32
      %add3A_358 = arith.addi %add3A_355, %mul3A_357 : i32
      %mul3A_359 = arith.constant 1024 : i32
      %mul3A_360 = arith.muli %add3A_358, %mul3A_359 : i32
      %dma_wait3A_361 = tpu.memref_slice %arg4[%mul3A_360] : memref<16777216xf32, #tpu.memory_space<hbm>> -> memref<16384xf32, #tpu.memory_space<hbm>>
      %dma_wait3A_362 = tpu.memref_slice %arg4[%mul3A_360] : memref<16777216xf32, #tpu.memory_space<hbm>> -> memref<16384xf32, #tpu.memory_space<hbm>>
      tpu.wait_dma2 semaphore(%arg14 : memref<!tpu.dma_semaphore, #tpu.memory_space<semaphore_mem>>) src(%arg8 : memref<16384xf32, #tpu.memory_space<vmem>>) dst(%dma_wait3A_362 : memref<16384xf32, #tpu.memory_space<hbm>>)
      %add3A_363 = arith.constant 12288 : i32
      %add3A_364 = arith.addi %add3A_363, %mul3A_2 : i32
      %mul3A_365 = arith.constant 16 : i32
      %mul3A_366 = arith.muli %add3A_353, %mul3A_365 : i32
      %add3A_367 = arith.addi %add3A_364, %mul3A_366 : i32
      %mul3A_368 = arith.constant 1024 : i32
      %mul3A_369 = arith.muli %add3A_367, %mul3A_368 : i32
      %dma_start3A_370 = tpu.memref_slice %arg2[%mul3A_369] : memref<16777216xf32, #tpu.memory_space<hbm>> -> memref<16384xf32, #tpu.memory_space<hbm>>
      %dma_start3A_371 = tpu.memref_slice %arg2[%mul3A_369] : memref<16777216xf32, #tpu.memory_space<hbm>> -> memref<16384xf32, #tpu.memory_space<hbm>>
      tpu.enqueue_dma source(%dma_start3A_371 : memref<16384xf32, #tpu.memory_space<hbm>>) target(%arg8 : memref<16384xf32, #tpu.memory_space<vmem>>) target_semaphore(%arg12 : memref<!tpu.dma_semaphore, #tpu.memory_space<semaphore_mem>>)
      %add3A_372 = arith.constant 8192 : i32
      %add3A_373 = arith.addi %add3A_372, %mul3A_2 : i32
      %mul3A_374 = arith.constant 16 : i32
      %mul3A_375 = arith.muli %add3A_349, %mul3A_374 : i32
      %add3A_376 = arith.addi %add3A_373, %mul3A_375 : i32
      %mul3A_377 = arith.constant 1024 : i32
      %mul3A_378 = arith.muli %add3A_376, %mul3A_377 : i32
      %dma_wait3A_379 = tpu.memref_slice %arg2[%mul3A_378] : memref<16777216xf32, #tpu.memory_space<hbm>> -> memref<16384xf32, #tpu.memory_space<hbm>>
      %dma_wait3A_380 = tpu.memref_slice %arg2[%mul3A_378] : memref<16777216xf32, #tpu.memory_space<hbm>> -> memref<16384xf32, #tpu.memory_space<hbm>>
      tpu.wait_dma2 semaphore(%arg11 : memref<!tpu.dma_semaphore, #tpu.memory_space<semaphore_mem>>) src(%dma_wait3A_380 : memref<16384xf32, #tpu.memory_space<hbm>>) dst(%arg7 : memref<16384xf32, #tpu.memory_space<vmem>>)
      %parallel_loop3A_381 = arith.constant 0 : i32
      %parallel_loop3A_382 = arith.constant 1024 : i32
      %parallel_loop3A_383 = arith.constant 1 : i32
      scf.for %parallel_loop3A_423 = %parallel_loop3A_381 to %parallel_loop3A_382 step %parallel_loop3A_383  : i32 {
        %parallel_loop3A_424 = arith.constant 16 : i32
        %parallel_loop3A_425 = arith.muli %parallel_loop3A_423, %parallel_loop3A_424 : i32
        %parallel_loop3A_426 = arith.index_cast %parallel_loop3A_425 : i32 to index
        %parallel_loop3A_427 = tpu.vector_load %arg6[%parallel_loop3A_426] {strides = array<i32>} : memref<16384xf32, #tpu.memory_space<vmem>>, vector<16xf32>,
        %parallel_loop3A_428 = vector.shape_cast %parallel_loop3A_427 : vector<16xf32> to vector<16xf32>
        %parallel_loop3A_429 = arith.index_cast %parallel_loop3A_425 : i32 to index
        %parallel_loop3A_430 = tpu.vector_load %arg7[%parallel_loop3A_429] {strides = array<i32>} : memref<16384xf32, #tpu.memory_space<vmem>>, vector<16xf32>,
        %parallel_loop3A_431 = vector.shape_cast %parallel_loop3A_430 : vector<16xf32> to vector<16xf32>
        %parallel_loop3A_432 = vector.shape_cast %parallel_loop3A_428 : vector<16xf32> to vector<16xf32>
        tpu.vector_store %arg7[%parallel_loop3A_429], %parallel_loop3A_432 {add = true, strides = array<i32>} : memref<16384xf32, #tpu.memory_space<vmem>>, vector<16xf32>,
      } {sc.loop_unroll_factor = 8 : i64, sc.parallel_access}
      %add3A_384 = arith.constant 8192 : i32
      %add3A_385 = arith.addi %add3A_384, %mul3A_2 : i32
      %mul3A_386 = arith.constant 16 : i32
      %mul3A_387 = arith.muli %add3A_349, %mul3A_386 : i32
      %add3A_388 = arith.addi %add3A_385, %mul3A_387 : i32
      %mul3A_389 = arith.constant 1024 : i32
      %mul3A_390 = arith.muli %add3A_388, %mul3A_389 : i32
      %dma_start3A_391 = tpu.memref_slice %arg4[%mul3A_390] : memref<16777216xf32, #tpu.memory_space<hbm>> -> memref<16384xf32, #tpu.memory_space<hbm>>
      %dma_start3A_392 = tpu.memref_slice %arg4[%mul3A_390] : memref<16777216xf32, #tpu.memory_space<hbm>> -> memref<16384xf32, #tpu.memory_space<hbm>>
      tpu.enqueue_dma source(%arg7 : memref<16384xf32, #tpu.memory_space<vmem>>) target(%dma_start3A_392 : memref<16384xf32, #tpu.memory_space<hbm>>) target_semaphore(%arg13 : memref<!tpu.dma_semaphore, #tpu.memory_space<semaphore_mem>>)
      %mul3A_393 = arith.constant 2 : i32
      %mul3A_394 = arith.muli %mul3A_393, %scan3A_36 : i32
      %add3A_395 = arith.constant 1 : i32
      %add3A_396 = arith.addi %mul3A_394, %add3A_395 : i32
      %lt3A_397 = arith.constant 3 : i32
      %lt3A_398 = arith.cmpi slt, %scan3A_36, %lt3A_397 : i32
      %convert_element_type3A_399 = arith.extui %lt3A_398 : i1 to i32
      %cond3A_400 = arith.constant 0 : i32
      %cond3A_401 = arith.cmpi ne, %convert_element_type3A_399, %cond3A_400 : i32
      scf.if %cond3A_401 {
        %add3A_423 = arith.constant 12288 : i32
        %add3A_424 = arith.addi %add3A_423, %mul3A_2 : i32
        %mul3A_425 = arith.constant 16 : i32
        %mul3A_426 = arith.muli %add3A_396, %mul3A_425 : i32
        %add3A_427 = arith.addi %add3A_424, %mul3A_426 : i32
        %mul3A_428 = arith.constant 1024 : i32
        %mul3A_429 = arith.muli %add3A_427, %mul3A_428 : i32
        %dma_wait3A_430 = tpu.memref_slice %arg4[%mul3A_429] : memref<16777216xf32, #tpu.memory_space<hbm>> -> memref<16384xf32, #tpu.memory_space<hbm>>
        %dma_wait3A_431 = tpu.memref_slice %arg4[%mul3A_429] : memref<16777216xf32, #tpu.memory_space<hbm>> -> memref<16384xf32, #tpu.memory_space<hbm>>
        tpu.wait_dma2 semaphore(%arg13 : memref<!tpu.dma_semaphore, #tpu.memory_space<semaphore_mem>>) src(%arg7 : memref<16384xf32, #tpu.memory_space<vmem>>) dst(%dma_wait3A_431 : memref<16384xf32, #tpu.memory_space<hbm>>)
        %mul3A_432 = arith.constant 2 : i32
        %mul3A_433 = arith.muli %mul3A_432, %scan3A_36 : i32
        %add3A_434 = arith.constant 2 : i32
        %add3A_435 = arith.addi %mul3A_433, %add3A_434 : i32
        %add3A_436 = arith.constant 0 : i32
        %add3A_437 = arith.addi %add3A_436, %mul3A_2 : i32
        %mul3A_438 = arith.constant 16 : i32
        %mul3A_439 = arith.muli %add3A_435, %mul3A_438 : i32
        %add3A_440 = arith.addi %add3A_437, %mul3A_439 : i32
        %mul3A_441 = arith.constant 1024 : i32
        %mul3A_442 = arith.muli %add3A_440, %mul3A_441 : i32
        %dma_start3A_443 = tpu.memref_slice %arg2[%mul3A_442] : memref<16777216xf32, #tpu.memory_space<hbm>> -> memref<16384xf32, #tpu.memory_space<hbm>>
        %dma_start3A_444 = tpu.memref_slice %arg2[%mul3A_442] : memref<16777216xf32, #tpu.memory_space<hbm>> -> memref<16384xf32, #tpu.memory_space<hbm>>
        tpu.enqueue_dma source(%dma_start3A_444 : memref<16384xf32, #tpu.memory_space<hbm>>) target(%arg7 : memref<16384xf32, #tpu.memory_space<vmem>>) target_semaphore(%arg11 : memref<!tpu.dma_semaphore, #tpu.memory_space<semaphore_mem>>)
      } else {
      }
      %add3A_402 = arith.constant 12288 : i32
      %add3A_403 = arith.addi %add3A_402, %mul3A_2 : i32
      %mul3A_404 = arith.constant 16 : i32
      %mul3A_405 = arith.muli %add3A_396, %mul3A_404 : i32
      %add3A_406 = arith.addi %add3A_403, %mul3A_405 : i32
      %mul3A_407 = arith.constant 1024 : i32
      %mul3A_408 = arith.muli %add3A_406, %mul3A_407 : i32
      %dma_wait3A_409 = tpu.memref_slice %arg2[%mul3A_408] : memref<16777216xf32, #tpu.memory_space<hbm>> -> memref<16384xf32, #tpu.memory_space<hbm>>
      %dma_wait3A_410 = tpu.memref_slice %arg2[%mul3A_408] : memref<16777216xf32, #tpu.memory_space<hbm>> -> memref<16384xf32, #tpu.memory_space<hbm>>
      tpu.wait_dma2 semaphore(%arg12 : memref<!tpu.dma_semaphore, #tpu.memory_space<semaphore_mem>>) src(%dma_wait3A_410 : memref<16384xf32, #tpu.memory_space<hbm>>) dst(%arg8 : memref<16384xf32, #tpu.memory_space<vmem>>)
      %parallel_loop3A_411 = arith.constant 0 : i32
      %parallel_loop3A_412 = arith.constant 1024 : i32
      %parallel_loop3A_413 = arith.constant 1 : i32
      scf.for %parallel_loop3A_423 = %parallel_loop3A_411 to %parallel_loop3A_412 step %parallel_loop3A_413  : i32 {
        %parallel_loop3A_424 = arith.constant 16 : i32
        %parallel_loop3A_425 = arith.muli %parallel_loop3A_423, %parallel_loop3A_424 : i32
        %parallel_loop3A_426 = arith.index_cast %parallel_loop3A_425 : i32 to index
        %parallel_loop3A_427 = tpu.vector_load %arg6[%parallel_loop3A_426] {strides = array<i32>} : memref<16384xf32, #tpu.memory_space<vmem>>, vector<16xf32>,
        %parallel_loop3A_428 = vector.shape_cast %parallel_loop3A_427 : vector<16xf32> to vector<16xf32>
        %parallel_loop3A_429 = arith.index_cast %parallel_loop3A_425 : i32 to index
        %parallel_loop3A_430 = tpu.vector_load %arg8[%parallel_loop3A_429] {strides = array<i32>} : memref<16384xf32, #tpu.memory_space<vmem>>, vector<16xf32>,
        %parallel_loop3A_431 = vector.shape_cast %parallel_loop3A_430 : vector<16xf32> to vector<16xf32>
        %parallel_loop3A_432 = vector.shape_cast %parallel_loop3A_428 : vector<16xf32> to vector<16xf32>
        tpu.vector_store %arg8[%parallel_loop3A_429], %parallel_loop3A_432 {add = true, strides = array<i32>} : memref<16384xf32, #tpu.memory_space<vmem>>, vector<16xf32>,
      } {sc.loop_unroll_factor = 8 : i64, sc.parallel_access}
      %add3A_414 = arith.constant 12288 : i32
      %add3A_415 = arith.addi %add3A_414, %mul3A_2 : i32
      %mul3A_416 = arith.constant 16 : i32
      %mul3A_417 = arith.muli %add3A_396, %mul3A_416 : i32
      %add3A_418 = arith.addi %add3A_415, %mul3A_417 : i32
      %mul3A_419 = arith.constant 1024 : i32
      %mul3A_420 = arith.muli %add3A_418, %mul3A_419 : i32
      %dma_start3A_421 = tpu.memref_slice %arg4[%mul3A_420] : memref<16777216xf32, #tpu.memory_space<hbm>> -> memref<16384xf32, #tpu.memory_space<hbm>>
      %dma_start3A_422 = tpu.memref_slice %arg4[%mul3A_420] : memref<16777216xf32, #tpu.memory_space<hbm>> -> memref<16384xf32, #tpu.memory_space<hbm>>
      tpu.enqueue_dma source(%arg8 : memref<16384xf32, #tpu.memory_space<vmem>>) target(%dma_start3A_422 : memref<16384xf32, #tpu.memory_space<hbm>>) target_semaphore(%arg14 : memref<!tpu.dma_semaphore, #tpu.memory_space<semaphore_mem>>)
    }
    %scan3A_20 = arith.constant 4 : i32
    %add3A_21 = arith.constant 8192 : i32
    %add3A_22 = arith.addi %add3A_21, %mul3A_2 : i32
    %add3A_23 = arith.constant 112 : i32
    %add3A_24 = arith.addi %add3A_22, %add3A_23 : i32
    %mul3A_25 = arith.constant 1024 : i32
    %mul3A_26 = arith.muli %add3A_24, %mul3A_25 : i32
    %dma_wait3A = tpu.memref_slice %arg4[%mul3A_26] : memref<16777216xf32, #tpu.memory_space<hbm>> -> memref<16384xf32, #tpu.memory_space<hbm>>
    %dma_wait3A_27 = tpu.memref_slice %arg4[%mul3A_26] : memref<16777216xf32, #tpu.memory_space<hbm>> -> memref<16384xf32, #tpu.memory_space<hbm>>
    tpu.wait_dma2 semaphore(%arg13 : memref<!tpu.dma_semaphore, #tpu.memory_space<semaphore_mem>>) src(%arg7 : memref<16384xf32, #tpu.memory_space<vmem>>) dst(%dma_wait3A_27 : memref<16384xf32, #tpu.memory_space<hbm>>)
    %add3A_28 = arith.constant 12288 : i32
    %add3A_29 = arith.addi %add3A_28, %mul3A_2 : i32
    %add3A_30 = arith.constant 112 : i32
    %add3A_31 = arith.addi %add3A_29, %add3A_30 : i32
    %mul3A_32 = arith.constant 1024 : i32
    %mul3A_33 = arith.muli %add3A_31, %mul3A_32 : i32
    %dma_wait3A_34 = tpu.memref_slice %arg4[%mul3A_33] : memref<16777216xf32, #tpu.memory_space<hbm>> -> memref<16384xf32, #tpu.memory_space<hbm>>
    %dma_wait3A_35 = tpu.memref_slice %arg4[%mul3A_33] : memref<16777216xf32, #tpu.memory_space<hbm>> -> memref<16384xf32, #tpu.memory_space<hbm>>
    tpu.wait_dma2 semaphore(%arg14 : memref<!tpu.dma_semaphore, #tpu.memory_space<semaphore_mem>>) src(%arg8 : memref<16384xf32, #tpu.memory_space<vmem>>) dst(%dma_wait3A_35 : memref<16384xf32, #tpu.memory_space<hbm>>)
    return
  }
}

</mosaic_0001>

<sc_bundles>
// kernel: kernel.3.cloned.1.call-start
scs
__scs_entry_jumppad:
0x0: {  	(pc) =	sbr.rel $0x88, $3  }
0x1: {  	(tag) =	ssettag $0x0;
	lr =	simm.s32 $0x1  }
0x2: {  	[smem:$0x3F9F] =	sst lr;
	_ =	strace $0xD0000000  }
0x3: {  	_ = 	snop  }
0x4: {  	_ = 	snop  }
0x5: {  	_ = 	snop  }
0x6: {  	_ = 	snop  }
0x7: {  	_ = 	snop  }
__scs_overlays_trampoline_lowered:
0x8: {  	[smem:$0x3FAE] =	sst s0  }
0x9: {  	[smem:$0x3FAF] =	sst s1  }
0xa: {  	[smem:$0x3FB0] =	sst s2  }
0xb: {  	[smem:$0x3FB1] =	sst s3  }
0xc: {  	[smem:$0x3FB2] =	sst s4  }
0xd: {  	[smem:$0x3FB3] =	sst s5  }
0xe: {  	[smem:$0x3FB4] =	sst s6  }
0xf: {  	[smem:$0x3FB5] =	sst s7  }
0x10: {  	[smem:$0x3FB6] =	sst s8  }
0x11: {  	[smem:$0x3FB7] =	sst s9;
	s0 =	simm.s32 @!p0 $0x0  }
0x12: {  	s1 =	sld [smem:$0x3F9D];
	s0 =	simm.s32 @p0 $0x1  }
0x13: {  	[smem:$0x3FB8] =	sst s0;
	s0 =	simm.s32 @!p1 $0x0  }
0x14: {  	s2 =	sld [smem:$0x3F9C];
	s0 =	simm.s32 @p1 $0x1  }
0x15: {  	[smem:$0x3FB9] =	sst s0;
	s0 =	simm.s32 @!p2 $0x0  }
0x16: {  	s3 =	sld [smem:$0x3FDB];
	s0 =	simm.s32 @p2 $0x1  }
0x17: {  	s4 =	simm.s32 $0x1BF5;
	[smem:$0x3FBB] =	sst s0  }
0x18: {  	s0 =	sld [smem:$0x3F9E];
	_ =	swait.ge [sflag:s4], $0x0  }
0x19: {  	s7 =	sld [smem:$0x3F9F]  }
0x1a: {  	s8 =	sadd.s32 $0xFFFFE003, lr  }
0x1b: {  	s9 =	sadd.s32 $0xFFFFFEF7, lr;
	s5 =	simm.s32 $0xFFFFFFFF;
	p2 =	slt.u32 s8, $0xFFFFF086  }
0x1c: {  	p1 =	slt.u32 s9, $0xF7A;
	s5 =	simm.s32 @!p2 $0x0  }
0x1d: {  	s5 =	simm.s32 @p1 $0x1;
	p0 =	seq.s32 s7, s2  }
0x1e: {  	s7 =	smul.u32 @!p0 $0xF7A, s2;
	p2 =	seq.s32 @!p0 s5, $0x0  }
0x1f: {  	s9 =	smul.u32 $0xF7A, s1;
	s8 =	simm.s32 @!p0 $0x1BF5;
	p2 =	por !p2, p0  }
0x20: {  	[sflag:s8] =	ssyncset.s32 @!p0 $0xFFFFF086;
	s6 =	sadd.s32 @!p0 s3, s7;
	s7 =	simm.s32 @!p0 $0x108  }
0x21: {  	s3 =	sadd.s32 s3, s9;
	s6 =	sadd.s32 @!p0 $0x88, s6;
	s7 =	simm.s32 @p2 $0x1082  }
0x22: {  	[simem:s7], [sflag:s8] =	dma.local @!p0 [hbm:s6], $0xF7A  }
0x23: {  	s9 =	sor.u32 $0xD0000000, s2;
	s6 =	simm.s32 $0x108;
	_ =	swait.ge @!p0 [sflag:s8], $0x0  }
0x24: {  	s3 =	sadd.s32 $0x88, s3;
	s6 =	simm.s32 @!p1 $0x1082;
	[sflag:s4] =	ssyncset.s32 $0xFFFFF086  }
0x25: {  	[simem:s6], [sflag:s4] =	dma.local [hbm:s3], $0xF7A  }
0x26: {  	[smem:$0x3F9F] =	sst s1;
	(tag) =	ssettag s2;
	_ =	strace s9  }
0x27: {  	s1 =	sld [smem:$0x3FAF]  }
0x28: {  	s2 =	sld [smem:$0x3FB0]  }
0x29: {  	s4 =	sld [smem:$0x3FB2]  }
0x2a: {  	p0 =	seq.s32 s5, $0x0;
	s5 =	sld [smem:$0x3FB3]  }
0x2b: {  	s6 =	sld [smem:$0x3FB4]  }
0x2c: {  	s7 =	sld [smem:$0x3FB5]  }
0x2d: {  	s3 =	simm.s32 $0x108;
	s8 =	sld [smem:$0x3FB6]  }
0x2e: {  	s3 =	simm.s32 @!p0 $0x1082;
	s9 =	sld [smem:$0x3FB7]  }
0x2f: {  	lr =	sadd.s32 s0, s3;
	s0 =	sld [smem:$0x3FAE]  }
0x30: {  	s3 =	sld [smem:$0x3FB1]  }
0x31: {  	[smem:$0x3FBA] =	sst s10  }
0x32: {  	s10 =	sld [smem:$0x3FB8];
	_ =	sdelay $0x3  }
0x33: {  	p0 =	seq.s32 s10, $0x1;
	s10 =	sld [smem:$0x3FBA];
	_ =	sdelay $0x3  }
0x34: {  	[smem:$0x3FBA] =	sst s10  }
0x35: {  	s10 =	sld [smem:$0x3FB9];
	_ =	sdelay $0x3  }
0x36: {  	p1 =	seq.s32 s10, $0x1;
	s10 =	sld [smem:$0x3FBA];
	_ =	sdelay $0x3  }
0x37: {  	[smem:$0x3FBA] =	sst s10  }
0x38: {  	s10 =	sld [smem:$0x3FBB]  }
0x39: {  	_ = 	snop;
	(pc) =	sbr.ind lr, $3  }
0x3a: {  	_ = 	snop  }
0x3b: {  	_ = 	snop  }
0x3c: {  	p2 =	seq.s32 s10, $0x1;
	s10 =	sld [smem:$0x3FBA]  }
0x3d: {  	_ =	shalt  }
0x3e: {  	_ =	shalt  }
0x3f: {  	_ =	shalt  }
0x40: {  	_ =	shalt  }
0x41: {  	_ =	shalt  }
0x42: {  	_ =	shalt  }
0x43: {  	_ =	shalt  }
0x44: {  	_ =	shalt  }
0x45: {  	_ =	shalt  }
0x46: {  	_ =	shalt  }
0x47: {  	_ =	shalt  }
0x48: {  	_ =	shalt  }
0x49: {  	_ =	shalt  }
0x4a: {  	_ =	shalt  }
0x4b: {  	_ =	shalt  }
0x4c: {  	_ =	shalt  }
0x4d: {  	_ =	shalt  }
0x4e: {  	_ =	shalt  }
0x4f: {  	_ =	shalt  }
0x50: {  	_ =	shalt  }
0x51: {  	_ =	shalt  }
0x52: {  	_ =	shalt  }
0x53: {  	_ =	shalt  }
0x54: {  	_ =	shalt  }
0x55: {  	_ =	shalt  }
0x56: {  	_ =	shalt  }
0x57: {  	_ =	shalt  }
0x58: {  	_ =	shalt  }
0x59: {  	_ =	shalt  }
0x5a: {  	_ =	shalt  }
0x5b: {  	_ =	shalt  }
0x5c: {  	_ =	shalt  }
0x5d: {  	_ =	shalt  }
0x5e: {  	_ =	shalt  }
0x5f: {  	_ =	shalt  }
0x60: {  	_ =	shalt  }
0x61: {  	_ =	shalt  }
0x62: {  	_ =	shalt  }
0x63: {  	_ =	shalt  }
0x64: {  	_ =	shalt  }
0x65: {  	_ =	shalt  }
0x66: {  	_ =	shalt  }
0x67: {  	_ =	shalt  }
0x68: {  	_ =	shalt  }
0x69: {  	_ =	shalt  }
0x6a: {  	_ =	shalt  }
0x6b: {  	_ =	shalt  }
0x6c: {  	_ =	shalt  }
0x6d: {  	_ =	shalt  }
0x6e: {  	_ =	shalt  }
0x6f: {  	_ =	shalt  }
0x70: {  	_ =	shalt  }
0x71: {  	_ =	shalt  }
0x72: {  	_ =	shalt  }
0x73: {  	_ =	shalt  }
0x74: {  	_ =	shalt  }
0x75: {  	_ =	shalt  }
0x76: {  	_ =	shalt  }
0x77: {  	_ =	shalt  }
0x78: {  	_ =	shalt  }
0x79: {  	_ =	shalt  }
0x7a: {  	_ =	shalt  }
0x7b: {  	_ =	shalt  }
0x7c: {  	_ =	shalt  }
0x7d: {  	_ =	shalt  }
0x7e: {  	_ =	shalt  }
0x7f: {  	_ =	shalt  }
0x80: {  	_ =	shalt  }
0x81: {  	_ =	shalt  }
0x82: {  	_ =	shalt  }
0x83: {  	_ =	shalt  }
0x84: {  	_ =	shalt  }
0x85: {  	_ =	shalt  }
0x86: {  	_ =	shalt  }
0x87: {  	_ =	shalt  }
.Lfunc_end0:
.L_simem_size_0:
called_computation.1_lowered:
.L_overlay_start_0:
0x88: {  	s2 =	sld [smem:$0x3FD9]  }
0x89: {  	s3 =	sld [smem:$0x3FFE];
	_ =	sdelay $0x1  }
0x8a: {  	s1 =	srdreg.scid  }
0x8b: {  	s0 =	sand.u32 $0x1, s1  }
0x8c: {  	s17 =	sshll.u32 s0, $0xA;
	s2 =	sadd.s32 s3, s2  }
0x8d: {  	s2 =	sadd.s32 s2, s17  }
0x8e: {  	[smem:$0x3FC6] =	sst s2  }
0x8f: {  	_ = 	snop  }
0x90: {  	s2 =	sld [smem:$0x3FD0];
	(tm) =	ssettm $0x1  }
0x91: {  	s18 =	sld [smem:$0x3FFB];
	_ =	sdelay $0x3  }
0x92: {  	_ =	strace s18  }
0x93: {  	s3 =	sld [smem:$0x3FFC];
	_ =	sdelay $0x3  }
0x94: {  	_ =	strace s3  }
0x95: {  	s3 =	sld [smem:$0x3FFD];
	_ =	sdelay $0x3  }
0x96: {  	_ =	strace s3  }
0x97: {  	_ =	strace $0x8FFFFFFF  }
0x98: {  	s19 =	sld [smem:$0x3FDB];
	_ =	sdelay $0x1  }
0x99: {  	s4 =	simm.s32 $_scs_section_size  }
0x9a: {  	s5 =	simm.s32 $_size__tile_overlayer_lowered;
	s6 =	simm.s32 $_tile_overlayer_lowered  }
0x9b: {  	s22 =	simm.s32 $0x1BFF;
	s21 =	sshll.u32 s6, $0x1;
	s3 =	sadd.s32 s4, s19  }
0x9c: {  	s7 =	simm.s32 $0x0;
	s20 =	sshll.u32 s5, $0x1;
	s5 =	sadd.s32 s21, s3  }
0x9d: {  	[timem:s7], [sflag:s22] =	dma.local [hbm:s5], s20  }
0x9e: {  	_ =	swait.ge [sflag:s22], s20  }
0x9f: {  	s4 =	ssub.s32 $0x0, s20;
	[sflag:s22] =	ssyncset.done $0x0  }
0xa0: {  	[sflag:s22] =	ssyncadd.s32 s4;
	_ =	sdelay $0x1  }
0xa1: {  	s23 =	simm.s32 $0x1B8B  }
0xa2: {  	_ =	swait.ge [sflag:s23], $0x1  }
0xa3: {  	[sflag:s23] =	ssyncset.done $0x0  }
0xa4: {  	s25 =	simm.s32 $0x1B8E;
	s24 =	sld [smem:$0x3FFE];
	[sflag:s23] =	ssyncadd.s32 $0xFFFFFFFF  }
0xa5: {  	s26 =	simm.s32 $execute0_lowered;
	[smem:$0x3FD2] =	sst s25  }
0xa6: {  	s5 =	sshll.u32 s26, $0x1;
	_ =	strace $0x80000049;
	[dreg:$0x1] =	wrdreg $0xFFFFFFFF  }
0xa7: {  	s28 =	simm.s32 $_size_execute0_lowered;
	s3 =	sadd.s32 s3, s5;
	[dreg:$0x0] =	wrdreg $0x0  }
0xa8: {  	s5 =	sshll.u32 s28, $0x1;
	[dreg:$0x2] =	wrdreg s3  }
0xa9: {  	[dreg:$0x3] =	wrdreg s5  }
0xaa: {  	[dreg:$0x4] =	wrdreg $0xC0  }
0xab: {  	_ =	task [dreg:s7], $0x5FFFF  }
0xac: {  	[dreg:$0x1] =	wrdreg $0xFFFFFFFF  }
0xad: {  	[dreg:$0x0] =	wrdreg $0x60  }
0xae: {  	[dreg:$0x2] =	wrdreg s2  }
0xaf: {  	[dreg:$0x3] =	wrdreg s24  }
0xb0: {  	[dreg:$0x4] =	wrdreg $0x9  }
0xb1: {  	_ =	task.clear_ibuf [dreg:s7], $0x5FFFF;
	_ =	strace $0x90000049  }
0xb2: {  	s29 =	simm.s32 $0x9;
	_ =	strace $0x8000004B  }
0xb3: {  	_ =	swait.ge [sflag:s29], $0x1  }
0xb4: {  	[sflag:s29] =	ssyncadd.s32 $0xFFFFFFFF  }
0xb5: {  	_ =	strace $0x9000004B  }
0xb6: {  	_ =	sfence  }
0xb7: {  	s30 =	sld [smem:$0x0];
	_ =	sdelay $0x2  }
0xb8: {  	s31 =	sshll.u32 s1, $0xD;
	s1 =	sshrl.u32 s1, $0x2  }
0xb9: {  	s3 =	sand.u32 $0x4000, s31;
	s1 =	sadd.s32 s1, s30  }
0xba: {  	s0 =	sor.u32 s3, s0;
	s1 =	sshll.u32 s1, $0x11  }
0xbb: {  	s0 =	sor.u32 s1, s0  }
0xbc: {  	s0 =	sadd.s32 $0x8F2B, s0  }
0xbd: {  	[sflag:s0] =	ssyncadd.remote.s32 $0x1  }
0xbe: {  	_ =	sfence.sel $0xFFFF  }
0xbf: {  	[dreg:$0x0] =	wrdreg $0xFFFFFFFF;
	(pc) =	sbr.abs _section_cstart, $3  }
0xc0: {  	[dreg:$0x1] =	wrdreg $0xFFFFFFFF  }
0xc1: {  	_ =	task.clear_ibuf [dreg:s7], $0x2FFFF;
	_ =	strace $0x9FFFFFFF  }
0xc2: {  	(tm) =	ssettm $0x7FFFFFFF  }
0xc3: {  	_ =	shalt  }
tec
execute0_lowered:
.L_overlay_start_1:
0x0: {  	(tag) =	ssettag $0x1  }
0x1: {  	s1 =	rddreg [dreg:$0x0]  }
0x2: {  	s0 =	rddreg [dreg:$0x1];
	s3 =	simm.s32 $0x0;
	s2 =	srdreg.scid  }
0x3: {  	s4 =	stileid.u32;
	s14 =	simm.s32 $0x8000;
	s15 =	simm.s32 $0x1  }
0x4: {  	s16 =	simm.s32 $0x4000;
	s17 =	simm.s32 $0xC000;
	s18 =	simm.s32 $0x3  }
0x5: {  	s19 =	simm.s32 $0x5;
	s20 =	simm.s32 $0x4;
	s21 =	simm.s32 $0x6  }
0x6: {  	s22 =	simm.s32 $0x2;
	s23 =	simm.s32 $0x0;
	[smem:$0x7FF] =	sst s3  }
0x7: {  	s2 =	sand.u32 $0x1, s2;
	s5 =	sshll.u32 s4, $0x1;
	s4 =	sadd.s32 $0xA00, s0  }
0x8: {  	_ =	strace $0x8000004A;
	s6 =	ssub.s32 $0x2, s2;
	s2 =	sor.u32 s2, s5  }
0x9: {  	s5 =	sadd.s32 $0x9CE00, s0;
	s7 =	sshrl.u32 s6, $0x1;
	s8 =	sshll.u32 s2, $0xE  }
0xa: {  	s31 =	ssub.s32 s6, s7;
	s6 =	sshll.u32 s2, $0x7;
	s7 =	sadd.s32 s4, s8  }
0xb: {  	s8 =	sadd.s32 s1, s8;
	s9 =	sor.u32 $0x1000, s6;
	s10 =	sor.u32 $0x2000, s6  }
0xc: {  	s11 =	sor.u32 $0x3000, s6;
	s12 =	sor.u32 $0x20, s6;
	s13 =	smax.u32 s31, $0x1  }
.LBB2_1:
0xd: {  	[tilespmem:s3], [sflag:$0x1] =	stream.linear.gather [hbm4b:s7+s3], $0x4000, $0x38;
	[tilespmem:$0x10000] =	vst v63  }
0xe: {  	s24 =	simm.s32 $0x0  }
0xf: {  	[tilespmem:s14], [sflag:$0x3] =	stream.linear.gather [hbm4b:s8+s3], $0x4000, $0x38;
	[tilespmem:$0x10000] =	vst v63  }
.LBB2_2:
0x10: {  	s28 =	sshll.u32 s24, $0x5  }
0x11: {  	s25 =	sor.u32 $0x10, s28  }
0x12: {  	s0 =	sadd.s32 s6, s25  }
0x13: {  	_ =	swait.ge [sflag:s15], $0x4000;
	s0 =	sshll.u32 s0, $0x7  }
0x14: {  	[sflag:s15] =	ssyncset.done $0x0;
	s26 =	sand.u32 $0x1FFFF800, s0  }
0x15: {  	p0 =	seq.s32 s24, $0x0;
	[sflag:s15] =	ssyncadd.s32 $0xFFFFC000;
	s0 =	sadd.s32 s4, s26  }
0x16: {  	[tilespmem:s16], [sflag:$0x2] =	stream.linear.gather [hbm4b:s0+s3], $0x4000, $0x38;
	[tilespmem:$0x10000] =	vst v63  }
0x17: {  	s2 =	sadd.s32 s9, s28;
	s0 =	simm.s32 @!p0 $0x6  }
0x18: {  	s2 =	sshll.u32 s2, $0x7;
	_ =	swait.ge @!p0 [sflag:s0], $0x4000  }
0x19: {  	s29 =	sand.u32 $0x1FFFF000, s2;
	[sflag:s0] =	ssyncset.done @!p0 $0x0  }
0x1a: {  	s2 =	simm.s32 $0x0;
	[sflag:s0] =	ssyncadd.s32 @!p0 $0xFFFFC000;
	s0 =	sadd.s32 s1, s29  }
0x1b: {  	[tilespmem:s17], [sflag:$0x4] =	stream.linear.gather [hbm4b:s0+s2], $0x4000, $0x38;
	[tilespmem:$0x10000] =	vst v63  }
0x1c: {  	_ =	swait.ge [sflag:s18], $0x4000  }
0x1d: {  	[sflag:s18] =	ssyncset.done $0x0  }
0x1e: {  	s30 =	simm.s32 $0x0;
	[sflag:s18] =	ssyncadd.s32 $0xFFFFC000  }
0x1f: {  	v0 =	vld [tilespmem:s30+$0x70]  }
0x20: {  	v1 =	vld [tilespmem:s30+$0x0]  }
0x21: {  	v2 =	vld [tilespmem:s30+$0x10]  }
0x22: {  	v3 =	vld [tilespmem:s30+$0x20]  }
0x23: {  	v4 =	vld [tilespmem:s30+$0x30]  }
0x24: {  	v5 =	vld [tilespmem:s30+$0x40]  }
0x25: {  	v6 =	vld [tilespmem:s30+$0x50]  }
0x26: {  	[tilespmem:s30+$0x8070] =	vst.add.f32.msk $0xffff, v0  }
0x27: {  	v0 =	vld [tilespmem:s30+$0x60]  }
0x28: {  	[tilespmem:s30+$0x8000] =	vst.add.f32.msk $0xffff, v1  }
0x29: {  	[tilespmem:s30+$0x8010] =	vst.add.f32.msk $0xffff, v2  }
0x2a: {  	[tilespmem:s30+$0x8020] =	vst.add.f32.msk $0xffff, v3  }
0x2b: {  	[tilespmem:s30+$0x8030] =	vst.add.f32.msk $0xffff, v4  }
0x2c: {  	[tilespmem:s30+$0x8040] =	vst.add.f32.msk $0xffff, v5  }
0x2d: {  	s31 =	sadd.s32 s6, s28;
	s0 =	simm.s32 $0x0;
	s2 =	simm.s32 $0x200;
	[tilespmem:s30+$0x8050] =	vst.add.f32.msk $0xffff, v6  }
.LBB2_3:
0x2e: {  	s0 =	sadd.s32 $0x8, s0;
	[tilespmem:s30+$0x8060] =	vst.add.f32.msk $0xffff, v0;
	s30 =	sshra.s32 s2, $0x2  }
0x2f: {  	v0 =	vld [tilespmem:s30+$0x70];
	p0 =	slt.u32 s0, $0x3F8  }
0x30: {  	v1 =	vld [tilespmem:s30+$0x0]  }
0x31: {  	v2 =	vld [tilespmem:s30+$0x10]  }
0x32: {  	v3 =	vld [tilespmem:s30+$0x20]  }
0x33: {  	v4 =	vld [tilespmem:s30+$0x30]  }
0x34: {  	[tilespmem:s30+$0x8070] =	vst.add.f32.msk $0xffff, v0  }
0x35: {  	v5 =	vld [tilespmem:s30+$0x40]  }
0x36: {  	v6 =	vld [tilespmem:s30+$0x50]  }
0x37: {  	v0 =	vld [tilespmem:s30+$0x60]  }
0x38: {  	[tilespmem:s30+$0x8000] =	vst.add.f32.msk $0xffff, v1  }
.Ltmp0:
0x39: {  	[tilespmem:s30+$0x8010] =	vst.add.f32.msk $0xffff, v2;
	(pc) =	sbr.rel @p0 .LBB2_3-.Ltmp0, $4  }
0x3a: {  	[tilespmem:s30+$0x8020] =	vst.add.f32.msk $0xffff, v3  }
0x3b: {  	[tilespmem:s30+$0x8030] =	vst.add.f32.msk $0xffff, v4  }
0x3c: {  	[tilespmem:s30+$0x8040] =	vst.add.f32.msk $0xffff, v5  }
0x3d: {  	s2 =	sadd.s32 $0x200, s2;
	[tilespmem:s30+$0x8050] =	vst.add.f32.msk $0xffff, v6  }
0x3e: {  	s0 =	sshll.u32 s31, $0x7  }
0x3f: {  	[tilespmem:s30+$0x8060] =	vst.add.f32.msk $0xffff, v0;
	s2 =	simm.s32 $0x0;
	s0 =	sadd.s32 s5, s0  }
0x40: {  	[hbm4b:s0+s2] =	stream.linear.scatter [tilespmem:s14], [sflag:$0x5], $0x4000, $0x38;
	[tilespmem:$0x10000] =	vst v63  }
0x41: {  	s0 =	sadd.s32 s10, s28  }
0x42: {  	_ =	swait.ge [sflag:s19], $0x4000;
	s0 =	sshll.u32 s0, $0x7  }
0x43: {  	[sflag:s19] =	ssyncset.done $0x0;
	s30 =	sand.u32 $0x1FFFF000, s0  }
0x44: {  	[sflag:s19] =	ssyncadd.s32 $0xFFFFC000;
	s0 =	sadd.s32 s1, s30  }
0x45: {  	[tilespmem:s14], [sflag:$0x3] =	stream.linear.gather [hbm4b:s0+s2], $0x4000, $0x38;
	[tilespmem:$0x10000] =	vst v63  }
0x46: {  	_ =	swait.ge [sflag:s20], $0x4000  }
0x47: {  	[sflag:s20] =	ssyncset.done $0x0  }
0x48: {  	s31 =	simm.s32 $0x0;
	[sflag:s20] =	ssyncadd.s32 $0xFFFFC000  }
0x49: {  	v0 =	vld [tilespmem:s31+$0x70]  }
0x4a: {  	v1 =	vld [tilespmem:s31+$0x0]  }
0x4b: {  	v2 =	vld [tilespmem:s31+$0x10]  }
0x4c: {  	v3 =	vld [tilespmem:s31+$0x20]  }
0x4d: {  	v4 =	vld [tilespmem:s31+$0x30]  }
0x4e: {  	v5 =	vld [tilespmem:s31+$0x40]  }
0x4f: {  	v6 =	vld [tilespmem:s31+$0x50]  }
0x50: {  	[tilespmem:s31+$0xC070] =	vst.add.f32.msk $0xffff, v0  }
0x51: {  	v0 =	vld [tilespmem:s31+$0x60]  }
0x52: {  	[tilespmem:s31+$0xC000] =	vst.add.f32.msk $0xffff, v1  }
0x53: {  	[tilespmem:s31+$0xC010] =	vst.add.f32.msk $0xffff, v2  }
0x54: {  	[tilespmem:s31+$0xC020] =	vst.add.f32.msk $0xffff, v3  }
0x55: {  	[tilespmem:s31+$0xC030] =	vst.add.f32.msk $0xffff, v4  }
0x56: {  	[tilespmem:s31+$0xC040] =	vst.add.f32.msk $0xffff, v5  }
0x57: {  	s29 =	sadd.s32 s5, s29;
	s0 =	simm.s32 $0x0;
	s2 =	simm.s32 $0x200;
	[tilespmem:s31+$0xC050] =	vst.add.f32.msk $0xffff, v6  }
.LBB2_5:
0x58: {  	s0 =	sadd.s32 $0x8, s0;
	[tilespmem:s31+$0xC060] =	vst.add.f32.msk $0xffff, v0;
	s31 =	sshra.s32 s2, $0x2  }
0x59: {  	v0 =	vld [tilespmem:s31+$0x70];
	p0 =	slt.u32 s0, $0x3F8  }
0x5a: {  	v1 =	vld [tilespmem:s31+$0x0]  }
0x5b: {  	v2 =	vld [tilespmem:s31+$0x10]  }
0x5c: {  	v3 =	vld [tilespmem:s31+$0x20]  }
0x5d: {  	v4 =	vld [tilespmem:s31+$0x30]  }
0x5e: {  	[tilespmem:s31+$0xC070] =	vst.add.f32.msk $0xffff, v0  }
0x5f: {  	v5 =	vld [tilespmem:s31+$0x40]  }
0x60: {  	v6 =	vld [tilespmem:s31+$0x50]  }
0x61: {  	v0 =	vld [tilespmem:s31+$0x60]  }
0x62: {  	[tilespmem:s31+$0xC000] =	vst.add.f32.msk $0xffff, v1  }
.Ltmp1:
0x63: {  	[tilespmem:s31+$0xC010] =	vst.add.f32.msk $0xffff, v2;
	(pc) =	sbr.rel @p0 .LBB2_5-.Ltmp1, $4  }
0x64: {  	[tilespmem:s31+$0xC020] =	vst.add.f32.msk $0xffff, v3  }
0x65: {  	[tilespmem:s31+$0xC030] =	vst.add.f32.msk $0xffff, v4  }
0x66: {  	[tilespmem:s31+$0xC040] =	vst.add.f32.msk $0xffff, v5  }
0x67: {  	s2 =	sadd.s32 $0x200, s2;
	[tilespmem:s31+$0xC050] =	vst.add.f32.msk $0xffff, v6  }
0x68: {  	[tilespmem:s31+$0xC060] =	vst.add.f32.msk $0xffff, v0;
	s0 =	simm.s32 $0x0;
	s2 =	sadd.s32 s11, s28  }
0x69: {  	[hbm4b:s29+s0] =	stream.linear.scatter [tilespmem:s17], [sflag:$0x6], $0x4000, $0x38;
	[tilespmem:$0x10000] =	vst v63  }
0x6a: {  	s2 =	sshll.u32 s2, $0x7;
	_ =	swait.ge [sflag:s21], $0x4000  }
0x6b: {  	s29 =	sand.u32 $0x1FFFF000, s2;
	[sflag:s21] =	ssyncset.done $0x0  }
0x6c: {  	s2 =	sadd.s32 s1, s29;
	[sflag:s21] =	ssyncadd.s32 $0xFFFFC000  }
0x6d: {  	[tilespmem:s17], [sflag:$0x4] =	stream.linear.gather [hbm4b:s2+s0], $0x4000, $0x38;
	[tilespmem:$0x10000] =	vst v63  }
0x6e: {  	_ =	swait.ge [sflag:s18], $0x4000  }
0x6f: {  	[sflag:s18] =	ssyncset.done $0x0  }
0x70: {  	s31 =	simm.s32 $0x0;
	[sflag:s18] =	ssyncadd.s32 $0xFFFFC000  }
0x71: {  	v0 =	vld [tilespmem:s31+$0x70]  }
0x72: {  	v1 =	vld [tilespmem:s31+$0x0]  }
0x73: {  	v2 =	vld [tilespmem:s31+$0x10]  }
0x74: {  	v3 =	vld [tilespmem:s31+$0x20]  }
0x75: {  	v4 =	vld [tilespmem:s31+$0x30]  }
0x76: {  	v5 =	vld [tilespmem:s31+$0x40]  }
0x77: {  	v6 =	vld [tilespmem:s31+$0x50]  }
0x78: {  	[tilespmem:s31+$0x8070] =	vst.add.f32.msk $0xffff, v0  }
0x79: {  	v0 =	vld [tilespmem:s31+$0x60]  }
0x7a: {  	[tilespmem:s31+$0x8000] =	vst.add.f32.msk $0xffff, v1  }
0x7b: {  	[tilespmem:s31+$0x8010] =	vst.add.f32.msk $0xffff, v2  }
0x7c: {  	[tilespmem:s31+$0x8020] =	vst.add.f32.msk $0xffff, v3  }
0x7d: {  	[tilespmem:s31+$0x8030] =	vst.add.f32.msk $0xffff, v4  }
0x7e: {  	[tilespmem:s31+$0x8040] =	vst.add.f32.msk $0xffff, v5  }
0x7f: {  	s30 =	sadd.s32 s5, s30;
	s0 =	simm.s32 $0x0;
	s2 =	simm.s32 $0x200;
	[tilespmem:s31+$0x8050] =	vst.add.f32.msk $0xffff, v6  }
.LBB2_7:
0x80: {  	s0 =	sadd.s32 $0x8, s0;
	[tilespmem:s31+$0x8060] =	vst.add.f32.msk $0xffff, v0;
	s31 =	sshra.s32 s2, $0x2  }
0x81: {  	v0 =	vld [tilespmem:s31+$0x70];
	p0 =	slt.u32 s0, $0x3F8  }
0x82: {  	v1 =	vld [tilespmem:s31+$0x0]  }
0x83: {  	v2 =	vld [tilespmem:s31+$0x10]  }
0x84: {  	v3 =	vld [tilespmem:s31+$0x20]  }
0x85: {  	v4 =	vld [tilespmem:s31+$0x30]  }
0x86: {  	[tilespmem:s31+$0x8070] =	vst.add.f32.msk $0xffff, v0  }
0x87: {  	v5 =	vld [tilespmem:s31+$0x40]  }
0x88: {  	v6 =	vld [tilespmem:s31+$0x50]  }
0x89: {  	v0 =	vld [tilespmem:s31+$0x60]  }
0x8a: {  	[tilespmem:s31+$0x8000] =	vst.add.f32.msk $0xffff, v1  }
.Ltmp2:
0x8b: {  	[tilespmem:s31+$0x8010] =	vst.add.f32.msk $0xffff, v2;
	(pc) =	sbr.rel @p0 .LBB2_7-.Ltmp2, $4  }
0x8c: {  	[tilespmem:s31+$0x8020] =	vst.add.f32.msk $0xffff, v3  }
0x8d: {  	[tilespmem:s31+$0x8030] =	vst.add.f32.msk $0xffff, v4  }
0x8e: {  	[tilespmem:s31+$0x8040] =	vst.add.f32.msk $0xffff, v5  }
0x8f: {  	s2 =	sadd.s32 $0x200, s2;
	[tilespmem:s31+$0x8050] =	vst.add.f32.msk $0xffff, v6  }
0x90: {  	[tilespmem:s31+$0x8060] =	vst.add.f32.msk $0xffff, v0;
	s0 =	simm.s32 $0x0  }
0x91: {  	[hbm4b:s30+s0] =	stream.linear.scatter [tilespmem:s14], [sflag:$0x5], $0x4000, $0x38;
	[tilespmem:$0x10000] =	vst v63  }
0x92: {  	_ =	swait.ge [sflag:s19], $0x4000  }
0x93: {  	[sflag:s19] =	ssyncset.done $0x0  }
0x94: {  	s2 =	sadd.s32 s1, s26;
	[sflag:s19] =	ssyncadd.s32 $0xFFFFC000  }
0x95: {  	[tilespmem:s14], [sflag:$0x3] =	stream.linear.gather [hbm4b:s2+s0], $0x4000, $0x38;
	[tilespmem:$0x10000] =	vst v63  }
0x96: {  	_ =	swait.ge [sflag:s20], $0x4000  }
0x97: {  	[sflag:s20] =	ssyncset.done $0x0  }
0x98: {  	s30 =	simm.s32 $0x0;
	[sflag:s20] =	ssyncadd.s32 $0xFFFFC000  }
0x99: {  	v0 =	vld [tilespmem:s30+$0x70]  }
0x9a: {  	v1 =	vld [tilespmem:s30+$0x0]  }
0x9b: {  	v2 =	vld [tilespmem:s30+$0x10]  }
0x9c: {  	v3 =	vld [tilespmem:s30+$0x20]  }
0x9d: {  	v4 =	vld [tilespmem:s30+$0x30]  }
0x9e: {  	v5 =	vld [tilespmem:s30+$0x40]  }
0x9f: {  	v6 =	vld [tilespmem:s30+$0x50]  }
0xa0: {  	[tilespmem:s30+$0xC070] =	vst.add.f32.msk $0xffff, v0  }
0xa1: {  	v0 =	vld [tilespmem:s30+$0x60]  }
0xa2: {  	[tilespmem:s30+$0xC000] =	vst.add.f32.msk $0xffff, v1  }
0xa3: {  	[tilespmem:s30+$0xC010] =	vst.add.f32.msk $0xffff, v2  }
0xa4: {  	[tilespmem:s30+$0xC020] =	vst.add.f32.msk $0xffff, v3  }
0xa5: {  	[tilespmem:s30+$0xC030] =	vst.add.f32.msk $0xffff, v4  }
0xa6: {  	[tilespmem:s30+$0xC040] =	vst.add.f32.msk $0xffff, v5  }
0xa7: {  	s29 =	sadd.s32 s5, s29;
	s0 =	simm.s32 $0x0;
	s2 =	simm.s32 $0x200;
	[tilespmem:s30+$0xC050] =	vst.add.f32.msk $0xffff, v6  }
.LBB2_9:
0xa8: {  	s0 =	sadd.s32 $0x8, s0;
	[tilespmem:s30+$0xC060] =	vst.add.f32.msk $0xffff, v0;
	s30 =	sshra.s32 s2, $0x2  }
0xa9: {  	v0 =	vld [tilespmem:s30+$0x70];
	p0 =	slt.u32 s0, $0x3F8  }
0xaa: {  	v1 =	vld [tilespmem:s30+$0x0]  }
0xab: {  	v2 =	vld [tilespmem:s30+$0x10]  }
0xac: {  	v3 =	vld [tilespmem:s30+$0x20]  }
0xad: {  	v4 =	vld [tilespmem:s30+$0x30]  }
0xae: {  	[tilespmem:s30+$0xC070] =	vst.add.f32.msk $0xffff, v0  }
0xaf: {  	v5 =	vld [tilespmem:s30+$0x40]  }
0xb0: {  	v6 =	vld [tilespmem:s30+$0x50]  }
0xb1: {  	v0 =	vld [tilespmem:s30+$0x60]  }
0xb2: {  	[tilespmem:s30+$0xC000] =	vst.add.f32.msk $0xffff, v1  }
.Ltmp3:
0xb3: {  	[tilespmem:s30+$0xC010] =	vst.add.f32.msk $0xffff, v2;
	(pc) =	sbr.rel @p0 .LBB2_9-.Ltmp3, $4  }
0xb4: {  	[tilespmem:s30+$0xC020] =	vst.add.f32.msk $0xffff, v3  }
0xb5: {  	[tilespmem:s30+$0xC030] =	vst.add.f32.msk $0xffff, v4  }
0xb6: {  	[tilespmem:s30+$0xC040] =	vst.add.f32.msk $0xffff, v5  }
0xb7: {  	s2 =	sadd.s32 $0x200, s2;
	[tilespmem:s30+$0xC050] =	vst.add.f32.msk $0xffff, v6  }
0xb8: {  	[tilespmem:s30+$0xC060] =	vst.add.f32.msk $0xffff, v0;
	p0 =	seq.s32 s24, $0x3  }
0xb9: {  	[hbm4b:s29+s3] =	stream.linear.scatter [tilespmem:s17], [sflag:$0x6], $0x4000, $0x38;
	[tilespmem:$0x10000] =	vst v63  }
0xba: {  	s0 =	sadd.s32 @!p0 s28, s12  }
0xbb: {  	_ =	swait.ge [sflag:s22], $0x4000;
	s0 =	sshll.u32 @!p0 s0, $0x7  }
0xbc: {  	[sflag:s22] =	ssyncset.done $0x0;
	s28 =	sand.u32 @!p0 $0x1FFFF000, s0  }
0xbd: {  	s2 =	simm.s32 @!p0 $0x0;
	[sflag:s22] =	ssyncadd.s32 $0xFFFFC000;
	s0 =	sadd.s32 @!p0 s4, s28  }
0xbe: {  	[tilespmem:s2], [sflag:$0x1] =	stream.linear.gather @!p0 [hbm4b:s0+s2], $0x4000, $0x38;
	[tilespmem:$0x10000] =	vst v63  }
0xbf: {  	s2 =	sadd.s32 s9, s25  }
0xc0: {  	_ =	swait.ge [sflag:s21], $0x4000;
	s0 =	sshll.u32 s2, $0x7  }
0xc1: {  	[sflag:s21] =	ssyncset.done $0x0;
	s29 =	sand.u32 $0x1FFFF800, s0  }
0xc2: {  	s31 =	simm.s32 $0x0;
	[sflag:s21] =	ssyncadd.s32 $0xFFFFC000;
	s0 =	sadd.s32 s1, s29  }
0xc3: {  	[tilespmem:s17], [sflag:$0x4] =	stream.linear.gather [hbm4b:s0+s31], $0x4000, $0x38;
	[tilespmem:$0x10000] =	vst v63  }
0xc4: {  	_ =	swait.ge [sflag:s18], $0x4000  }
0xc5: {  	[sflag:s18] =	ssyncset.done $0x0  }
0xc6: {  	s30 =	simm.s32 $0x0;
	[sflag:s18] =	ssyncadd.s32 $0xFFFFC000  }
0xc7: {  	v0 =	vld [tilespmem:s30+$0x4070]  }
0xc8: {  	v1 =	vld [tilespmem:s30+$0x4000]  }
0xc9: {  	v2 =	vld [tilespmem:s30+$0x4010]  }
0xca: {  	v3 =	vld [tilespmem:s30+$0x4020]  }
0xcb: {  	v4 =	vld [tilespmem:s30+$0x4030]  }
0xcc: {  	v5 =	vld [tilespmem:s30+$0x4040]  }
0xcd: {  	v6 =	vld [tilespmem:s30+$0x4050]  }
0xce: {  	[tilespmem:s30+$0x8070] =	vst.add.f32.msk $0xffff, v0  }
0xcf: {  	v0 =	vld [tilespmem:s30+$0x4060]  }
0xd0: {  	[tilespmem:s30+$0x8000] =	vst.add.f32.msk $0xffff, v1  }
0xd1: {  	[tilespmem:s30+$0x8010] =	vst.add.f32.msk $0xffff, v2  }
0xd2: {  	[tilespmem:s30+$0x8020] =	vst.add.f32.msk $0xffff, v3  }
0xd3: {  	[tilespmem:s30+$0x8030] =	vst.add.f32.msk $0xffff, v4  }
0xd4: {  	[tilespmem:s30+$0x8040] =	vst.add.f32.msk $0xffff, v5  }
0xd5: {  	s26 =	sadd.s32 s5, s26;
	s2 =	simm.s32 $0x200;
	s0 =	simm.s32 $0x0;
	[tilespmem:s30+$0x8050] =	vst.add.f32.msk $0xffff, v6  }
.LBB2_11:
0xd6: {  	s0 =	sadd.s32 $0x8, s0;
	[tilespmem:s30+$0x8060] =	vst.add.f32.msk $0xffff, v0;
	s30 =	sshra.s32 s2, $0x2  }
0xd7: {  	v0 =	vld [tilespmem:s30+$0x4070];
	p1 =	slt.u32 s0, $0x3F8  }
0xd8: {  	v1 =	vld [tilespmem:s30+$0x4000]  }
0xd9: {  	v2 =	vld [tilespmem:s30+$0x4010]  }
0xda: {  	v3 =	vld [tilespmem:s30+$0x4020]  }
0xdb: {  	v4 =	vld [tilespmem:s30+$0x4030]  }
0xdc: {  	[tilespmem:s30+$0x8070] =	vst.add.f32.msk $0xffff, v0  }
0xdd: {  	v5 =	vld [tilespmem:s30+$0x4040]  }
0xde: {  	v6 =	vld [tilespmem:s30+$0x4050]  }
0xdf: {  	v0 =	vld [tilespmem:s30+$0x4060]  }
0xe0: {  	[tilespmem:s30+$0x8000] =	vst.add.f32.msk $0xffff, v1  }
.Ltmp4:
0xe1: {  	[tilespmem:s30+$0x8010] =	vst.add.f32.msk $0xffff, v2;
	(pc) =	sbr.rel @p1 .LBB2_11-.Ltmp4, $4  }
0xe2: {  	[tilespmem:s30+$0x8020] =	vst.add.f32.msk $0xffff, v3  }
0xe3: {  	[tilespmem:s30+$0x8030] =	vst.add.f32.msk $0xffff, v4  }
0xe4: {  	[tilespmem:s30+$0x8040] =	vst.add.f32.msk $0xffff, v5  }
0xe5: {  	s2 =	sadd.s32 $0x200, s2;
	[tilespmem:s30+$0x8050] =	vst.add.f32.msk $0xffff, v6  }
0xe6: {  	[tilespmem:s30+$0x8060] =	vst.add.f32.msk $0xffff, v0;
	s0 =	simm.s32 $0x0;
	s2 =	sadd.s32 s10, s25  }
0xe7: {  	[hbm4b:s26+s0] =	stream.linear.scatter [tilespmem:s14], [sflag:$0x5], $0x4000, $0x38;
	[tilespmem:$0x10000] =	vst v63  }
0xe8: {  	s2 =	sshll.u32 s2, $0x7;
	_ =	swait.ge [sflag:s19], $0x4000  }
0xe9: {  	s26 =	sand.u32 $0x1FFFF800, s2;
	[sflag:s19] =	ssyncset.done $0x0  }
0xea: {  	s2 =	sadd.s32 s1, s26;
	[sflag:s19] =	ssyncadd.s32 $0xFFFFC000  }
0xeb: {  	[tilespmem:s14], [sflag:$0x3] =	stream.linear.gather [hbm4b:s2+s0], $0x4000, $0x38;
	[tilespmem:$0x10000] =	vst v63  }
0xec: {  	_ =	swait.ge [sflag:s20], $0x4000  }
0xed: {  	[sflag:s20] =	ssyncset.done $0x0  }
0xee: {  	s30 =	simm.s32 $0x0;
	[sflag:s20] =	ssyncadd.s32 $0xFFFFC000  }
0xef: {  	v0 =	vld [tilespmem:s30+$0x4070]  }
0xf0: {  	v1 =	vld [tilespmem:s30+$0x4000]  }
0xf1: {  	v2 =	vld [tilespmem:s30+$0x4010]  }
0xf2: {  	v3 =	vld [tilespmem:s30+$0x4020]  }
0xf3: {  	v4 =	vld [tilespmem:s30+$0x4030]  }
0xf4: {  	v5 =	vld [tilespmem:s30+$0x4040]  }
0xf5: {  	v6 =	vld [tilespmem:s30+$0x4050]  }
0xf6: {  	[tilespmem:s30+$0xC070] =	vst.add.f32.msk $0xffff, v0  }
0xf7: {  	v0 =	vld [tilespmem:s30+$0x4060]  }
0xf8: {  	[tilespmem:s30+$0xC000] =	vst.add.f32.msk $0xffff, v1  }
0xf9: {  	[tilespmem:s30+$0xC010] =	vst.add.f32.msk $0xffff, v2  }
0xfa: {  	[tilespmem:s30+$0xC020] =	vst.add.f32.msk $0xffff, v3  }
0xfb: {  	[tilespmem:s30+$0xC030] =	vst.add.f32.msk $0xffff, v4  }
0xfc: {  	[tilespmem:s30+$0xC040] =	vst.add.f32.msk $0xffff, v5  }
0xfd: {  	s29 =	sadd.s32 s5, s29;
	s0 =	simm.s32 $0x0;
	s2 =	simm.s32 $0x200;
	[tilespmem:s30+$0xC050] =	vst.add.f32.msk $0xffff, v6  }
.LBB2_13:
0xfe: {  	s0 =	sadd.s32 $0x8, s0;
	[tilespmem:s30+$0xC060] =	vst.add.f32.msk $0xffff, v0;
	s30 =	sshra.s32 s2, $0x2  }
0xff: {  	v0 =	vld [tilespmem:s30+$0x4070];
	p1 =	slt.u32 s0, $0x3F8  }
0x100: {  	v1 =	vld [tilespmem:s30+$0x4000]  }
0x101: {  	v2 =	vld [tilespmem:s30+$0x4010]  }
0x102: {  	v3 =	vld [tilespmem:s30+$0x4020]  }
0x103: {  	v4 =	vld [tilespmem:s30+$0x4030]  }
0x104: {  	[tilespmem:s30+$0xC070] =	vst.add.f32.msk $0xffff, v0  }
0x105: {  	v5 =	vld [tilespmem:s30+$0x4040]  }
0x106: {  	v6 =	vld [tilespmem:s30+$0x4050]  }
0x107: {  	v0 =	vld [tilespmem:s30+$0x4060]  }
0x108: {  	[tilespmem:s30+$0xC000] =	vst.add.f32.msk $0xffff, v1  }
.Ltmp5:
0x109: {  	[tilespmem:s30+$0xC010] =	vst.add.f32.msk $0xffff, v2;
	(pc) =	sbr.rel @p1 .LBB2_13-.Ltmp5, $4  }
0x10a: {  	[tilespmem:s30+$0xC020] =	vst.add.f32.msk $0xffff, v3  }
0x10b: {  	[tilespmem:s30+$0xC030] =	vst.add.f32.msk $0xffff, v4  }
0x10c: {  	[tilespmem:s30+$0xC040] =	vst.add.f32.msk $0xffff, v5  }
0x10d: {  	s2 =	sadd.s32 $0x200, s2;
	[tilespmem:s30+$0xC050] =	vst.add.f32.msk $0xffff, v6  }
0x10e: {  	[tilespmem:s30+$0xC060] =	vst.add.f32.msk $0xffff, v0;
	s0 =	simm.s32 $0x0;
	s2 =	sadd.s32 s11, s25  }
0x10f: {  	[hbm4b:s29+s0] =	stream.linear.scatter [tilespmem:s17], [sflag:$0x6], $0x4000, $0x38;
	[tilespmem:$0x10000] =	vst v63  }
0x110: {  	s2 =	sshll.u32 s2, $0x7;
	_ =	swait.ge [sflag:s21], $0x4000  }
0x111: {  	s25 =	sand.u32 $0x1FFFF800, s2;
	[sflag:s21] =	ssyncset.done $0x0  }
0x112: {  	s2 =	sadd.s32 s1, s25;
	[sflag:s21] =	ssyncadd.s32 $0xFFFFC000  }
0x113: {  	[tilespmem:s17], [sflag:$0x4] =	stream.linear.gather [hbm4b:s2+s0], $0x4000, $0x38;
	[tilespmem:$0x10000] =	vst v63  }
0x114: {  	_ =	swait.ge [sflag:s18], $0x4000  }
0x115: {  	[sflag:s18] =	ssyncset.done $0x0  }
0x116: {  	s29 =	simm.s32 $0x0;
	[sflag:s18] =	ssyncadd.s32 $0xFFFFC000  }
0x117: {  	v0 =	vld [tilespmem:s29+$0x4070]  }
0x118: {  	v1 =	vld [tilespmem:s29+$0x4000]  }
0x119: {  	v2 =	vld [tilespmem:s29+$0x4010]  }
0x11a: {  	v3 =	vld [tilespmem:s29+$0x4020]  }
0x11b: {  	v4 =	vld [tilespmem:s29+$0x4030]  }
0x11c: {  	v5 =	vld [tilespmem:s29+$0x4040]  }
0x11d: {  	v6 =	vld [tilespmem:s29+$0x4050]  }
0x11e: {  	[tilespmem:s29+$0x8070] =	vst.add.f32.msk $0xffff, v0  }
0x11f: {  	v0 =	vld [tilespmem:s29+$0x4060]  }
0x120: {  	[tilespmem:s29+$0x8000] =	vst.add.f32.msk $0xffff, v1  }
0x121: {  	[tilespmem:s29+$0x8010] =	vst.add.f32.msk $0xffff, v2  }
0x122: {  	[tilespmem:s29+$0x8020] =	vst.add.f32.msk $0xffff, v3  }
0x123: {  	[tilespmem:s29+$0x8030] =	vst.add.f32.msk $0xffff, v4  }
0x124: {  	[tilespmem:s29+$0x8040] =	vst.add.f32.msk $0xffff, v5  }
0x125: {  	s26 =	sadd.s32 s5, s26;
	s0 =	simm.s32 $0x0;
	s2 =	simm.s32 $0x200;
	[tilespmem:s29+$0x8050] =	vst.add.f32.msk $0xffff, v6  }
.LBB2_15:
0x126: {  	s0 =	sadd.s32 $0x8, s0;
	[tilespmem:s29+$0x8060] =	vst.add.f32.msk $0xffff, v0;
	s29 =	sshra.s32 s2, $0x2  }
0x127: {  	v0 =	vld [tilespmem:s29+$0x4070];
	p1 =	slt.u32 s0, $0x3F8  }
0x128: {  	v1 =	vld [tilespmem:s29+$0x4000]  }
0x129: {  	v2 =	vld [tilespmem:s29+$0x4010]  }
0x12a: {  	v3 =	vld [tilespmem:s29+$0x4020]  }
0x12b: {  	v4 =	vld [tilespmem:s29+$0x4030]  }
0x12c: {  	[tilespmem:s29+$0x8070] =	vst.add.f32.msk $0xffff, v0  }
0x12d: {  	v5 =	vld [tilespmem:s29+$0x4040]  }
0x12e: {  	v6 =	vld [tilespmem:s29+$0x4050]  }
0x12f: {  	v0 =	vld [tilespmem:s29+$0x4060]  }
0x130: {  	[tilespmem:s29+$0x8000] =	vst.add.f32.msk $0xffff, v1  }
.Ltmp6:
0x131: {  	[tilespmem:s29+$0x8010] =	vst.add.f32.msk $0xffff, v2;
	(pc) =	sbr.rel @p1 .LBB2_15-.Ltmp6, $4  }
0x132: {  	[tilespmem:s29+$0x8020] =	vst.add.f32.msk $0xffff, v3  }
0x133: {  	[tilespmem:s29+$0x8030] =	vst.add.f32.msk $0xffff, v4  }
0x134: {  	[tilespmem:s29+$0x8040] =	vst.add.f32.msk $0xffff, v5  }
0x135: {  	s2 =	sadd.s32 $0x200, s2;
	[tilespmem:s29+$0x8050] =	vst.add.f32.msk $0xffff, v6  }
0x136: {  	[tilespmem:s29+$0x8060] =	vst.add.f32.msk $0xffff, v0;
	s0 =	simm.s32 @!p0 $0x5  }
0x137: {  	[hbm4b:s26+s3] =	stream.linear.scatter [tilespmem:s14], [sflag:$0x5], $0x4000, $0x38;
	[tilespmem:$0x10000] =	vst v63  }
0x138: {  	_ =	swait.ge @!p0 [sflag:s0], $0x4000  }
0x139: {  	s2 =	simm.s32 @!p0 $0x0;
	[sflag:s0] =	ssyncset.done @!p0 $0x0  }
0x13a: {  	s26 =	simm.s32 @!p0 $0x8000;
	[sflag:s0] =	ssyncadd.s32 @!p0 $0xFFFFC000;
	s0 =	sadd.s32 @!p0 s1, s28  }
0x13b: {  	[tilespmem:s26], [sflag:$0x3] =	stream.linear.gather @!p0 [hbm4b:s0+s2], $0x4000, $0x38;
	[tilespmem:$0x10000] =	vst v63  }
0x13c: {  	_ =	swait.ge [sflag:s20], $0x4000  }
0x13d: {  	[sflag:s20] =	ssyncset.done $0x0  }
0x13e: {  	s26 =	simm.s32 $0x0;
	[sflag:s20] =	ssyncadd.s32 $0xFFFFC000  }
0x13f: {  	v0 =	vld [tilespmem:s26+$0x4070]  }
0x140: {  	v1 =	vld [tilespmem:s26+$0x4000]  }
0x141: {  	v2 =	vld [tilespmem:s26+$0x4010]  }
0x142: {  	v3 =	vld [tilespmem:s26+$0x4020]  }
0x143: {  	v4 =	vld [tilespmem:s26+$0x4030]  }
0x144: {  	v5 =	vld [tilespmem:s26+$0x4040]  }
0x145: {  	v6 =	vld [tilespmem:s26+$0x4050]  }
0x146: {  	[tilespmem:s26+$0xC070] =	vst.add.f32.msk $0xffff, v0  }
0x147: {  	v0 =	vld [tilespmem:s26+$0x4060]  }
0x148: {  	[tilespmem:s26+$0xC000] =	vst.add.f32.msk $0xffff, v1  }
0x149: {  	[tilespmem:s26+$0xC010] =	vst.add.f32.msk $0xffff, v2  }
0x14a: {  	[tilespmem:s26+$0xC020] =	vst.add.f32.msk $0xffff, v3  }
0x14b: {  	[tilespmem:s26+$0xC030] =	vst.add.f32.msk $0xffff, v4  }
0x14c: {  	[tilespmem:s26+$0xC040] =	vst.add.f32.msk $0xffff, v5  }
0x14d: {  	s0 =	simm.s32 $0x0;
	s2 =	simm.s32 $0x200;
	[tilespmem:s26+$0xC050] =	vst.add.f32.msk $0xffff, v6  }
.LBB2_17:
0x14e: {  	s0 =	sadd.s32 $0x8, s0;
	[tilespmem:s26+$0xC060] =	vst.add.f32.msk $0xffff, v0;
	s26 =	sshra.s32 s2, $0x2  }
0x14f: {  	v0 =	vld [tilespmem:s26+$0x4070];
	p0 =	slt.u32 s0, $0x3F8  }
0x150: {  	v1 =	vld [tilespmem:s26+$0x4000]  }
0x151: {  	v2 =	vld [tilespmem:s26+$0x4010]  }
0x152: {  	v3 =	vld [tilespmem:s26+$0x4020]  }
0x153: {  	v4 =	vld [tilespmem:s26+$0x4030]  }
0x154: {  	[tilespmem:s26+$0xC070] =	vst.add.f32.msk $0xffff, v0  }
0x155: {  	v5 =	vld [tilespmem:s26+$0x4040]  }
0x156: {  	v6 =	vld [tilespmem:s26+$0x4050]  }
0x157: {  	v0 =	vld [tilespmem:s26+$0x4060]  }
0x158: {  	[tilespmem:s26+$0xC000] =	vst.add.f32.msk $0xffff, v1  }
.Ltmp7:
0x159: {  	[tilespmem:s26+$0xC010] =	vst.add.f32.msk $0xffff, v2;
	(pc) =	sbr.rel @p0 .LBB2_17-.Ltmp7, $4  }
0x15a: {  	[tilespmem:s26+$0xC020] =	vst.add.f32.msk $0xffff, v3  }
0x15b: {  	[tilespmem:s26+$0xC030] =	vst.add.f32.msk $0xffff, v4  }
0x15c: {  	[tilespmem:s26+$0xC040] =	vst.add.f32.msk $0xffff, v5  }
0x15d: {  	s2 =	sadd.s32 $0x200, s2;
	[tilespmem:s26+$0xC050] =	vst.add.f32.msk $0xffff, v6  }
0x15e: {  	s24 =	sadd.s32 $0x1, s24  }
0x15f: {  	p0 =	sne.s32 s24, $0x4  }
.Ltmp8:
0x160: {  	_ = 	snop;
	(pc) =	sbr.rel @p0 .LBB2_2-.Ltmp8, $3  }
0x161: {  	_ =	sdelay $0x1  }
0x162: {  	[tilespmem:s26+$0xC060] =	vst.add.f32.msk $0xffff, v0;
	s0 =	sadd.s32 s5, s25  }
0x163: {  	[hbm4b:s0+s3] =	stream.linear.scatter [tilespmem:s17], [sflag:$0x6], $0x4000, $0x38;
	[tilespmem:$0x10000] =	vst v63  }
0x164: {  	s23 =	sadd.s32 $0x1, s23  }
0x165: {  	_ =	swait.ge [sflag:s19], $0x4000;
	p0 =	sne.s32 s23, s13  }
.Ltmp9:
0x166: {  	[sflag:s19] =	ssyncset.done $0x0;
	(pc) =	sbr.rel @p0 .LBB2_1-.Ltmp9, $4  }
0x167: {  	[sflag:s19] =	ssyncadd.s32 $0xFFFFC000  }
0x168: {  	_ =	swait.ge [sflag:s21], $0x4000  }
0x169: {  	[sflag:s21] =	ssyncset.done $0x0  }
0x16a: {  	[sflag:s21] =	ssyncadd.s32 $0xFFFFC000  }
0x16b: {  	_ =	sfence.sel $0x180000  }
0x16c: {  	[bflag:$0x0] =	sbarrier.arrive $0xFFFF  }
0x16d: {  	_ =	strace $0x9000004A  }
0x16e: {  	s0 =	stileid.u32;
	[bflag:$0x2] =	sbarrier.arrive $0xFFFF  }
0x16f: {  	p0 =	sne.s32 s0, $0x0;
	s0 =	rddreg [dreg:$0x2]  }
0x170: {  	s0 =	sadd.s32 @!p0 $0x100000, s0  }
0x171: {  	[sflag:s0] =	ssyncadd.tile.s32 @!p0 $0x1;
	_ =	shalt  }
.Lfunc_end2:
_tile_overlayer_lowered:
.L_overlay_start_2:
0x172: {  	(tag) =	ssettag $0x2  }
0x173: {  	s0 =	rddreg [dreg:$0x0];
	s2 =	stileid.u32  }
0x174: {  	s1 =	rddreg [dreg:$0x1];
	p0 =	sne.s32 s2, $0x0  }
0x175: {  	s3 =	rddreg [dreg:$0x2];
	[bflag:$0x3] =	sbarrier.arrive $0xFFFF;
	s2 =	simm.s32 @!p0 $0x1C07  }
0x176: {  	[timem:s3], [sflag:s2] =	dma.local @!p0 [hbm:s0], s1  }
0x177: {  	s0 =	simm.s32 @!p0 $0x7  }
0x178: {  	_ =	swait.ge @!p0 [sflag:s0], s1  }
0x179: {  	s1 =	ssub.s32 @!p0 $0x0, s1;
	[sflag:s0] =	ssyncset.done @!p0 $0x0  }
0x17a: {  	[sflag:s0] =	ssyncadd.s32 @!p0 s1  }
0x17b: {  	[bflag:$0x3] =	sbarrier.arrive $0xFFFF  }
0x17c: {  	_ =	shalt  }

// kernel: sparse-core-data-format-call.cloned.1.call-start
scs
called_computation_lowered:
.L_overlay_start_0:
0x0: {  	s2 =	sld [smem:$0x3FD9]  }
0x1: {  	s3 =	sld [smem:$0x3FFE];
	_ =	sdelay $0x1  }
0x2: {  	s1 =	srdreg.scid  }
0x3: {  	s0 =	sand.u32 $0x1, s1  }
0x4: {  	s19 =	sshll.u32 s0, $0xA;
	s2 =	sadd.s32 s3, s2  }
0x5: {  	s2 =	sadd.s32 s2, s19  }
0x6: {  	[smem:$0x3FC6] =	sst s2  }
0x7: {  	_ = 	snop  }
0x8: {  	s2 =	sld [smem:$0x3FC9]  }
0x9: {  	s20 =	sld [smem:$0x3FD0];
	(tm) =	ssettm $0x1  }
0xa: {  	s4 =	sld [smem:$0x3FFB];
	_ =	sdelay $0x3  }
0xb: {  	_ =	strace s4  }
0xc: {  	s4 =	sld [smem:$0x3FFC];
	_ =	sdelay $0x3  }
0xd: {  	_ =	strace s4  }
0xe: {  	s4 =	sld [smem:$0x3FFD];
	_ =	sdelay $0x3  }
0xf: {  	_ =	strace s4  }
0x10: {  	_ =	strace $0x8FFFFFFF  }
0x11: {  	s21 =	sld [smem:$0x3FDB];
	_ =	sdelay $0x1  }
0x12: {  	s5 =	simm.s32 $_scs_section_size  }
0x13: {  	s6 =	simm.s32 $_size__tile_overlayer_lowered;
	s7 =	simm.s32 $_tile_overlayer_lowered  }
0x14: {  	s24 =	simm.s32 $0x1BFF;
	s23 =	sshll.u32 s7, $0x1;
	s4 =	sadd.s32 s5, s21  }
0x15: {  	s8 =	simm.s32 $0x0;
	s22 =	sshll.u32 s6, $0x1;
	s6 =	sadd.s32 s23, s4  }
0x16: {  	[timem:s8], [sflag:s24] =	dma.local [hbm:s6], s22  }
0x17: {  	_ =	swait.ge [sflag:s24], s22  }
0x18: {  	s5 =	ssub.s32 $0x0, s22;
	[sflag:s24] =	ssyncset.done $0x0  }
0x19: {  	[sflag:s24] =	ssyncadd.s32 s5;
	_ =	sdelay $0x1  }
0x1a: {  	s25 =	simm.s32 $0x1B8B  }
0x1b: {  	_ =	swait.ge [sflag:s25], $0x1  }
0x1c: {  	[sflag:s25] =	ssyncset.done $0x0  }
0x1d: {  	s26 =	simm.s32 $0x1B8E;
	[sflag:s25] =	ssyncadd.s32 $0xFFFFFFFF  }
0x1e: {  	s27 =	simm.s32 $execute0_lowered;
	[smem:$0x3FD2] =	sst s26  }
0x1f: {  	s5 =	sshll.u32 s27, $0x1;
	_ =	strace $0x80000046;
	[dreg:$0x1] =	wrdreg $0xFFFFFFFF  }
0x20: {  	s28 =	simm.s32 $_size_execute0_lowered;
	s4 =	sadd.s32 s4, s5;
	[dreg:$0x0] =	wrdreg $0x0  }
0x21: {  	s5 =	sshll.u32 s28, $0x1;
	[dreg:$0x2] =	wrdreg s4  }
0x22: {  	[dreg:$0x3] =	wrdreg s5  }
0x23: {  	[dreg:$0x4] =	wrdreg $0xC0  }
0x24: {  	_ =	task [dreg:s8], $0x5FFFF  }
0x25: {  	[dreg:$0x1] =	wrdreg $0xFFFFFFFF  }
0x26: {  	[dreg:$0x0] =	wrdreg $0x60  }
0x27: {  	[dreg:$0x2] =	wrdreg s2  }
0x28: {  	[dreg:$0x3] =	wrdreg s20  }
0x29: {  	[dreg:$0x4] =	wrdreg $0x9  }
0x2a: {  	_ =	task.clear_ibuf [dreg:s8], $0x5FFFF;
	_ =	strace $0x90000046  }
0x2b: {  	s29 =	simm.s32 $0x9;
	_ =	strace $0x80000048  }
0x2c: {  	_ =	swait.ge [sflag:s29], $0x1  }
0x2d: {  	[sflag:s29] =	ssyncadd.s32 $0xFFFFFFFF  }
0x2e: {  	_ =	strace $0x90000048  }
0x2f: {  	_ =	sfence  }
0x30: {  	s30 =	sld [smem:$0x0];
	_ =	sdelay $0x2  }
0x31: {  	s31 =	sshll.u32 s1, $0xD;
	s1 =	sshrl.u32 s1, $0x2  }
0x32: {  	s3 =	sand.u32 $0x4000, s31;
	s1 =	sadd.s32 s1, s30  }
0x33: {  	s0 =	sor.u32 s3, s0;
	s1 =	sshll.u32 s1, $0x11  }
0x34: {  	s0 =	sor.u32 s1, s0  }
0x35: {  	s0 =	sadd.s32 $0x8F2B, s0  }
0x36: {  	[sflag:s0] =	ssyncadd.remote.s32 $0x1  }
0x37: {  	_ =	sfence.sel $0xFFFF  }
0x38: {  	[dreg:$0x0] =	wrdreg $0xFFFFFFFF;
	(pc) =	sbr.abs _section_cstart, $3  }
0x39: {  	[dreg:$0x1] =	wrdreg $0xFFFFFFFF  }
0x3a: {  	_ =	task.clear_ibuf [dreg:s8], $0x2FFFF;
	_ =	strace $0x9FFFFFFF  }
0x3b: {  	(tm) =	ssettm $0x7FFFFFFF  }
tec
execute0_lowered:
.L_overlay_start_1:
0x0: {  	(tag) =	ssettag $0x1  }
0x1: {  	s0 =	srdreg.scid  }
0x2: {  	s1 =	sshll.u32 s0, $0x4  }
0x3: {  	s2 =	rddreg [dreg:$0x0];
	s0 =	stileid.u32;
	s1 =	sand.u32 $0x10, s1  }
0x4: {  	s4 =	rddreg [dreg:$0x1];
	s1 =	sor.u32 s0, s1  }
0x5: {  	s7 =	simm.s32 $0x1;
	s8 =	simm.s32 $0x2;
	s3 =	sshll.u32 s1, $0x1  }
0x6: {  	s9 =	simm.s32 $0x0;
	s12 =	simm.s32 $0x0;
	s6 =	ssub.s32 $0x800, s3  }
.Ltmp0:
0x7: {  	s11 =	simm.s32 $0x0;
	s5 =	sand.u32 $0x3E, s6;
	(pc) =	sbr.rel .LBB1_1-.Ltmp0, $4  }
0x8: {  	s1 =	rddreg [dreg:$0x2];
	_ =	strace $0x80000047;
	p0 =	sne.s32 s5, $0x0  }
0x9: {  	s6 =	sshrl.u32 s6, $0x6;
	s5 =	simm.s32 $0x1;
	s7 =	simm.s32 @!p0 $0x0  }
0xa: {  	s10 =	smov.u32 s3;
	[sflag:s5] =	ssyncpa.u1 $0x0;
	s6 =	sadd.s32 s7, s6  }
0xb: {  	[sflag:s8] =	ssyncpa.u1 $0x0;
	s8 =	simm.s32 $0x0;
	s7 =	sadd.s32 $0x1, s6  }
.LBB1_9:
0xc: {  	s14 =	sadd.s32 $0x40, s10  }
0xd: {  	p1 =	sgt.s32 s14, $0x7FF  }
0xe: {  	s14 =	smov.u32 @p1 s3;
	p1 =	sne.s32 s11, s7  }
.Ltmp1:
0xf: {  	p0 =	slt.u32 s11, $0x2;
	(pc) =	sbr.rel @!p1 .LBB1_10-.Ltmp1, $4  }
0x10: {  	s13 =	simm.s32 @!p0 $0x2  }
0x11: {  	s15 =	sadd.s32 $0x1, s11;
	_ =	swait.ge @!p0 [sflag:s13], $0x4000  }
0x12: {  	s12 =	smov.u32 s10;
	s9 =	sadd.s32 $0x4000, s9;
	[sflag:s13] =	ssyncset.done @!p0 $0x0  }
0x13: {  	s11 =	smov.u32 s15;
	s10 =	smov.u32 s14;
	[sflag:s13] =	ssyncadd.s32 @!p0 $0xFFFFC000  }
.LBB1_1:
0x14: {  	p0 =	sge.u32 s11, s6  }
0x15: {  	s13 =	sxor.u32 @!p0 $0xFFFFFFFF, s11  }
0x16: {  	s31 =	sadd.s32 $0xFFFFFFFF, s11;
	s14 =	sshll.u32 @!p0 s10, $0xA;
	s13 =	sshll.u32 @!p0 s13, $0xE  }
0x17: {  	s15 =	simm.s32 @!p0 $0x0;
	s14 =	sadd.s32 @!p0 s2, s14;
	s13 =	sand.u32 @!p0 $0x4000, s13  }
0x18: {  	[tilespmem:s13], [sflag:$0x1] =	stream.linear.gather @!p0 [hbm4b:s14+s15], $0x4000, $0x38;
	[tilespmem:$0x10000] =	vst v63  }
0x19: {  	p0 =	sge.u32 s31, s6  }
.Ltmp2:
0x1a: {  	_ = 	snop;
	(pc) =	sbr.rel @p0 .LBB1_9-.Ltmp2, $1  }
0x1b: {  	_ =	sdelay $0x3  }
0x1c: {  	s13 =	sshll.u32 s9, $0x2  }
0x1d: {  	_ =	swait.ge [sflag:s5], $0x4000;
	s14 =	sshll.u32 s11, $0xE;
	s16 =	simm.s32 $0x0  }
0x1e: {  	p1 =	por $0x1, $0x1;
	s13 =	sand.u32 $0x10000, s13;
	[sflag:s5] =	ssyncset.done $0x0  }
0x1f: {  	s14 =	sand.u32 $0x4000, s14;
	s15 =	sshrl.u32 s13, $0x2;
	[sflag:s5] =	ssyncadd.s32 $0xFFFFC000  }
0x20: {  	s13 =	sor.u32 $0x8000, s14;
	s14 =	sadd.s32 $0x8040, s15;
	s15 =	sadd.s32 $0x40, s15  }
.LBB1_3:
0x21: {  	s16 =	sshll.u32 s16, $0x2  }
0x22: {  	p0 =	por p1, p1;
	s17 =	sshra.s32 s16, $0x2  }
0x23: {  	s18 =	simm.s32 $0x0;
	s16 =	sadd.s32 s17, s14;
	s17 =	sadd.s32 s17, s15  }
.LBB1_4:
0x24: {  	v0 =	vmov s17;
	_ =	sdelay $0x3  }
0x25: {  	s20 =	simm.s32 $0x0  }
0x26: {  	v6 =	vld.idx.msk [tilespmem:v0+s20+$0x30 ss:$0x1], $0xffff  }
0x27: {  	v7 =	vld.idx.msk [tilespmem:v0+s20+$0xFFFFFFC0 ss:$0x1], $0xffff  }
0x28: {  	v5 =	vld.idx.msk [tilespmem:v0+s20+$0xFFFFFFD0 ss:$0x1], $0xffff  }
0x29: {  	v4 =	vld.idx.msk [tilespmem:v0+s20+$0xFFFFFFE0 ss:$0x1], $0xffff  }
0x2a: {  	v3 =	vld.idx.msk [tilespmem:v0+s20+$0xFFFFFFF0 ss:$0x1], $0xffff  }
0x2b: {  	v1 =	vld.idx.msk [tilespmem:v0+s20+$0x0 ss:$0x1], $0xffff  }
0x2c: {  	v2 =	vld.idx.msk [tilespmem:v0+s20+$0x10 ss:$0x1], $0xffff;
	[tilespmem:s16+$0x30] =	vst v6  }
0x2d: {  	s19 =	simm.s32 $0x80;
	s21 =	simm.s32 $0x400;
	[tilespmem:s16+$0xFFFFFFC0] =	vst v7;
	v6 =	vld.idx.msk [tilespmem:v0+s20+$0x20 ss:$0x1], $0xffff;
	s20 =	smov.u32 s16  }
.LBB1_5:
0x2e: {  	p1 =	sne.s32 s21, $0xE00;
	v7 =	vld.idx.msk [tilespmem:v0+s19+$0x30 ss:$0x1], $0xffff;
	[tilespmem:s20+$0xFFFFFFD0] =	vst v5  }
0x2f: {  	v8 =	vld.idx.msk [tilespmem:v0+s19+$0xFFFFFFC0 ss:$0x1], $0xffff;
	[tilespmem:s20+$0xFFFFFFE0] =	vst v4  }
0x30: {  	v5 =	vld.idx.msk [tilespmem:v0+s19+$0xFFFFFFD0 ss:$0x1], $0xffff;
	[tilespmem:s20+$0xFFFFFFF0] =	vst v3  }
.Ltmp3:
0x31: {  	v4 =	vld.idx.msk [tilespmem:v0+s19+$0xFFFFFFE0 ss:$0x1], $0xffff;
	[tilespmem:s20+$0x0] =	vst v1;
	(pc) =	sbr.rel @p1 .LBB1_5-.Ltmp3, $4  }
0x32: {  	v3 =	vld.idx.msk [tilespmem:v0+s19+$0xFFFFFFF0 ss:$0x1], $0xffff;
	[tilespmem:s20+$0x10] =	vst v2  }
0x33: {  	v1 =	vld.idx.msk [tilespmem:v0+s19+$0x0 ss:$0x1], $0xffff;
	[tilespmem:s20+$0x20] =	vst v6;
	s20 =	sadd.s32 $0x400, s20  }
0x34: {  	v2 =	vld.idx.msk [tilespmem:v0+s19+$0x10 ss:$0x1], $0xffff;
	[tilespmem:s20+$0x30] =	vst v7  }
0x35: {  	[tilespmem:s20+$0xFFFFFFC0] =	vst v8;
	v6 =	vld.idx.msk [tilespmem:v0+s19+$0x20 ss:$0x1], $0xffff;
	s19 =	sshra.s32 s21, $0x2;
	s21 =	sadd.s32 $0x200, s21  }
0x36: {  	_ =	sdelay $0x2  }
0x37: {  	[tilespmem:s20+$0xFFFFFFD0] =	vst v5  }
0x38: {  	v56 =	vld.idx.msk [tilespmem:v0+s19+$0x30 ss:$0x1], $0xffff;
	[tilespmem:s20+$0xFFFFFFE0] =	vst v4  }
0x39: {  	v57 =	vld.idx.msk [tilespmem:v0+s19+$0xFFFFFFC0 ss:$0x1], $0xffff;
	[tilespmem:s20+$0xFFFFFFF0] =	vst v3  }
0x3a: {  	v58 =	vld.idx.msk [tilespmem:v0+s19+$0xFFFFFFD0 ss:$0x1], $0xffff;
	[tilespmem:s20+$0x0] =	vst v1  }
0x3b: {  	v59 =	vld.idx.msk [tilespmem:v0+s19+$0xFFFFFFE0 ss:$0x1], $0xffff;
	[tilespmem:s20+$0x10] =	vst v2  }
0x3c: {  	v60 =	vld.idx.msk [tilespmem:v0+s19+$0xFFFFFFF0 ss:$0x1], $0xffff;
	s31 =	sadd.s32 $0x400, s20;
	[tilespmem:s20+$0x20] =	vst v6  }
0x3d: {  	v61 =	vld.idx.msk [tilespmem:v0+s19+$0x0 ss:$0x1], $0xffff;
	[tilespmem:s31+$0x30] =	vst v56  }
0x3e: {  	v62 =	vld.idx.msk [tilespmem:v0+s19+$0x10 ss:$0x1], $0xffff;
	s18 =	sadd.s32 $0x1, s18;
	[tilespmem:s31+$0xFFFFFFC0] =	vst v57  }
0x3f: {  	v63 =	vld.idx.msk [tilespmem:v0+s19+$0x20 ss:$0x1], $0xffff;
	p1 =	sne.s32 s18, $0x8;
	[tilespmem:s31+$0xFFFFFFD0] =	vst v58  }
.Ltmp4:
0x40: {  	[tilespmem:s31+$0xFFFFFFE0] =	vst v59;
	(pc) =	sbr.rel @p1 .LBB1_4-.Ltmp4, $4  }
0x41: {  	[tilespmem:s31+$0xFFFFFFF0] =	vst v60  }
0x42: {  	[tilespmem:s31+$0x0] =	vst v61  }
0x43: {  	[tilespmem:s31+$0x10] =	vst v62  }
0x44: {  	s16 =	sadd.s32 $0x80, s16;
	s17 =	sadd.s32 $0x400, s17;
	[tilespmem:s31+$0x20] =	vst v63  }
.Ltmp5:
0x45: {  	(pc) =	sbr.rel @p0 .LBB1_3-.Ltmp5, $2  }
0x46: {  	_ =	sdelay $0x2  }
0x47: {  	s16 =	simm.s32 $0x2000;
	p1 =	por $0x0, $0x0  }
.Ltmp6:
0x48: {  	(pc) =	sbr.rel .LBB1_9-.Ltmp6, $4  }
0x49: {  	_ = 	snop  }
0x4a: {  	s12 =	sshll.u32 s12, $0xA  }
0x4b: {  	s12 =	sadd.s32 s4, s12  }
0x4c: {  	[hbm4b:s12+s8] =	stream.linear.scatter [tilespmem:s13], [sflag:$0x2], $0x4000, $0x38;
	[tilespmem:$0x10000] =	vst v63  }
.LBB1_10:
0x4d: {  	_ =	sfence.sel $0x180000  }
0x4e: {  	s2 =	simm.s32 $0x1;
	[bflag:$0x0] =	sbarrier.arrive $0xFFFF  }
0x4f: {  	s31 =	simm.s32 $0x2;
	[sflag:s2] =	ssyncpa.u1 $0x1  }
0x50: {  	[sflag:s31] =	ssyncpa.u1 $0x1  }
0x51: {  	p0 =	sne.s32 s0, $0x0;
	_ =	strace $0x90000047  }
0x52: {  	s0 =	sadd.s32 @!p0 $0x100000, s1;
	[bflag:$0x2] =	sbarrier.arrive $0xFFFF  }
0x53: {  	[sflag:s0] =	ssyncadd.tile.s32 @!p0 $0x1;
	_ =	shalt  }
.Lfunc_end1:
_tile_overlayer_lowered:
.L_overlay_start_2:
0x54: {  	(tag) =	ssettag $0x2  }
0x55: {  	s0 =	rddreg [dreg:$0x0];
	s2 =	stileid.u32  }
0x56: {  	s1 =	rddreg [dreg:$0x1];
	p0 =	sne.s32 s2, $0x0  }
0x57: {  	s3 =	rddreg [dreg:$0x2];
	[bflag:$0x3] =	sbarrier.arrive $0xFFFF;
	s2 =	simm.s32 @!p0 $0x1C01  }
0x58: {  	[timem:s3], [sflag:s2] =	dma.local @!p0 [hbm:s0], s1  }
0x59: {  	s0 =	simm.s32 @!p0 $0x1  }
0x5a: {  	_ =	swait.ge @!p0 [sflag:s0], s1  }
0x5b: {  	s1 =	ssub.s32 @!p0 $0x0, s1;
	[sflag:s0] =	ssyncset.done @!p0 $0x0  }
0x5c: {  	[sflag:s0] =	ssyncadd.s32 @!p0 s1  }
0x5d: {  	[bflag:$0x3] =	sbarrier.arrive $0xFFFF  }
0x5e: {  	_ =	shalt  }

</sc_bundles>
